<compile_context>
chip_gen: v7x
topology: tpu7x:2x2x1
jax: 0.10.2.dev20260603
libtpu: 0.0.44.dev20260713+nightly
codegen_flags: <defaults>
</compile_context>

<pallas_src>
import functools

import jax
import jax.numpy as jnp
from jax import lax
from jax.experimental import pallas as pl
from jax.experimental.pallas import tpu as pltpu
from jax.experimental.pallas import tpu_sc as plsc

_PAD_ID = 0
_REG1 = 0.01
_REG2 = 0.1
_CH = 128
_NCHUNK = 2
_BB = 128


def _gather_rows_sc(table, idx4, c):
    _, nw, nch, ch = idx4.shape
    _, d = table.shape
    n = nw * nch * ch
    info = plsc.get_sparse_core_info()
    nc = info.num_cores
    mesh = plsc.VectorSubcoreMesh(core_axis_name="c", subcore_axis_name="s")

    @functools.partial(
        pl.kernel,
        out_type=jax.ShapeDtypeStruct((n, d), jnp.float32),
        mesh=mesh,
        scratch_types=[
            pltpu.VMEM((nch, ch), jnp.int32),
            pltpu.VMEM((ch, d), jnp.float32),
            pltpu.VMEM((ch, d), jnp.float32),
            pltpu.SemaphoreType.DMA,
            pltpu.SemaphoreType.DMA,
        ],
    )
    def k(tab_hbm, idx_hbm, out_hbm, idx_v, buf0, buf1, sem0, sem1):
        wid = lax.axis_index("s") * nc + lax.axis_index("c")
        base = wid * (nch * ch)
        pltpu.sync_copy(idx_hbm.at[c, wid], idx_v)
        pltpu.async_copy(tab_hbm.at[idx_v.at[0]], buf0, sem0)

        def body(jj, carry):
            j0 = 2 * jj
            pltpu.async_copy(tab_hbm.at[idx_v.at[j0 + 1]], buf1, sem1)
            pltpu.make_async_copy(tab_hbm.at[idx_v.at[j0]], buf0, sem0).wait()
            pltpu.sync_copy(buf0, out_hbm.at[pl.ds(base + j0 * ch, ch)])

            @pl.when(2 * jj + 2 < nch)
            def _():
                pltpu.async_copy(tab_hbm.at[idx_v.at[j0 + 2]], buf0, sem0)

            pltpu.make_async_copy(tab_hbm.at[idx_v.at[j0 + 1]], buf1, sem1).wait()
            pltpu.sync_copy(buf1, out_hbm.at[pl.ds(base + (j0 + 1) * ch, ch)])
            return carry

        lax.fori_loop(0, nch // 2, body, 0)
        if nch % 2 == 1:
            jl = nch - 1
            pltpu.make_async_copy(tab_hbm.at[idx_v.at[jl]], buf0, sem0).wait()
            pltpu.sync_copy(buf0, out_hbm.at[pl.ds(base + jl * ch, ch)])

    return k(table, idx4)


def _loss_tc_chunk(pt3, g3, target, acc_in, c, bc, d, s, last):
    bb = _BB
    grid = bc // bb
    goff = c * grid

    def body(p_ref, g_ref, t_ref, ai_ref, out_ref):
        i = pl.program_id(0)
        pf = p_ref[...]
        gg = g_ref[...]
        t = t_ref[...]
        m = (t != _PAD_ID).astype(jnp.float32)
        z2 = jnp.sum(pf * pf, axis=2)
        z = jnp.sqrt(z2)
        v = jnp.float32(float(d))
        sq = jnp.sqrt((v + 1.0) ** 2 + z2)
        lc = sq - (v - 1.0) * jnp.log((v - 1.0) + sq)
        base = -lc + _REG1 * z

        gm = gg * m[..., None]
        part = jnp.sum(base * m) - _REG2 * jnp.sum(pf * gm)
        cnt = jnp.sum(m)

        lane = lax.broadcasted_iota(jnp.int32, (1, 128), 1)
        upd = jnp.where(lane == 0, part, 0.0) + jnp.where(lane == 1, cnt, 0.0)

        @pl.when(i == 0)
        def _init():
            out_ref[...] = ai_ref[...]

        acc = out_ref[...] + upd
        out_ref[...] = acc

        if last:
            @pl.when(i == grid - 1)
            def _fin():
                tot = jnp.sum(jnp.where(lane == 0, acc, 0.0))
                den = jnp.sum(jnp.where(lane == 1, acc, 0.0))
                out_ref[...] = jnp.full((1, 128), tot / den, jnp.float32)

    return pl.pallas_call(
        body,
        grid=(grid,),
        in_specs=[
            pl.BlockSpec((bb, s, d), lambda i: (goff + i, 0, 0)),
            pl.BlockSpec((bb, s, d), lambda i: (i, 0, 0)),
            pl.BlockSpec((bb, s), lambda i: (goff + i, 0)),
            pl.BlockSpec((1, 128), lambda i: (0, 0)),
        ],
        out_specs=pl.BlockSpec((1, 128), lambda i: (0, 0)),
        out_shape=jax.ShapeDtypeStruct((1, 128), jnp.float32),
    )(pt3, g3, target, acc_in)


def kernel(preds, target, table):
    b, d, s = preds.shape
    bc = b // _NCHUNK
    nw = 32
    nch = (bc * s) // (nw * _CH)
    pt3 = jnp.transpose(preds, (0, 2, 1))

    idx4 = target.reshape(_NCHUNK, nw, nch, _CH)
    gs = []
    for c in range(_NCHUNK):
        gs.append(_gather_rows_sc(table, idx4, c).reshape(bc, s, d))

    acc = jnp.zeros((1, 128), jnp.float32)
    for c in range(_NCHUNK):
        acc = _loss_tc_chunk(
            pt3, gs[c], target, acc, c, bc, d, s, last=(c == _NCHUNK - 1))
    return acc[0, 0]

# --- scband reference (transcript-rebuilt; emitter-appended) ---
"""Pipeline reference for scband-nllv-mfloss-base-75711683493982 (READ-ONLY COPY).

The authoritative reference and input builder live on the scoring server;
editing this copy changes nothing except your own understanding.
"""

import jax, jax.numpy as jnp
import numpy as np

NUM_EMB = 100000
EMB_DIM = 128
PAD_ID = 0
REG_1 = 0.01
REG_2 = 0.1
B = 4096
S = 50


def _logcmk(v, z):
    # Differentiable approximation of log C_m(z) (vMF normalizer), as used in
    # NLLvMF approx variants (Kumar & Tsvetkov 2019). Base class leaves this
    # abstract; this is the standard concrete choice.
    v = jnp.asarray(v, dtype=z.dtype)
    s = jnp.sqrt((v + 1.0) ** 2 + z ** 2)
    return s - (v - 1.0) * jnp.log((v - 1.0) + s)


def setup_inputs(seed: int = 0) -> dict:
    key = jax.random.key(seed)
    k1, k2, k3 = jax.random.split(key, 3)
    preds = jax.random.normal(k1, (B, EMB_DIM, S), dtype=jnp.float32)
    target = jax.random.randint(k2, (B, S), 0, NUM_EMB, dtype=jnp.int32)
    # pretrained target embedding table (nn.Embedding.from_pretrained)
    table = jax.random.normal(k3, (NUM_EMB, EMB_DIM), dtype=jnp.float32)
    return {"preds": preds, "target": target, "table": table}


def reference(preds, target, table):
    # target_norm = self.tgt_embedding(target)  -> [B, S, D]
    target_norm = jnp.take(table, target, axis=0)
    # mask = target.ne(self.pad_id)
    mask = (target != PAD_ID)
    # preds: [B, D, S]; preds.norm(p=2, dim=1) -> [B, S]
    z = jnp.sqrt(jnp.sum(preds * preds, axis=1))
    # (target_norm * preds.transpose(1, 2)).sum(dim=2) -> [B, S]
    dot = jnp.sum(target_norm * jnp.transpose(preds, (0, 2, 1)), axis=2)
    loss = -_logcmk(EMB_DIM, z) - REG_2 * dot + REG_1 * z
    # loss[mask].mean() == masked mean
    m = mask.astype(loss.dtype)
    return jnp.sum(loss * m) / jnp.sum(m)

if __name__ == "__main__":
    import jax
    _d = setup_inputs()
    print(jax.jit(kernel)(*tuple(_d.values())))

</pallas_src>

<mosaic_0001>
#map = affine_map<(d0, d1) -> (0, 0)>
#map1 = affine_map<(d0, d1) -> (0, 0, 0, 0)>
module attributes {stable_mosaic.version = 14 : i64} {
  func.func @k(%arg0: i32, %arg1: i32, %arg2: memref<100000x128xf32, #tpu.memory_space<hbm>>, %arg3: memref<2x32x25x128xi32, #tpu.memory_space<hbm>>, %arg4: memref<102400x128xf32, #tpu.memory_space<hbm>>, %arg5: memref<25x128xi32, #tpu.memory_space<vmem>>, %arg6: memref<128x128xf32, #tpu.memory_space<vmem>>, %arg7: memref<128x128xf32, #tpu.memory_space<vmem>>, %arg8: memref<!tpu.dma_semaphore, #tpu.memory_space<semaphore_mem>>, %arg9: memref<!tpu.dma_semaphore, #tpu.memory_space<semaphore_mem>>) attributes {dimension_semantics = [#tpu.dimension_semantics<core_parallel>, #tpu.dimension_semantics<subcore_parallel>], iteration_bounds = array<i64: 2, 16>, scalar_prefetch = 0 : i64, scratch_operands = 5 : i64, tpu.core_type = #tpu.core_type<sc_vector_subcore>, window_params = [{transform_indices = #map}, {transform_indices = #map1}, {transform_indices = #map}]} {
    %mul3A = arith.constant 2 : i32
    %mul3A_0 = arith.muli %arg1, %mul3A : i32
    %add3A = arith.addi %mul3A_0, %arg0 : i32
    %mul3A_1 = arith.constant 3200 : i32
    %mul3A_2 = arith.muli %add3A, %mul3A_1 : i32
    %run_scoped3A = arith.constant 1 : i32
    "tpu.region"() ({
      %run_scoped3A_22 = tpu.sem_alloc : memref<!tpu.dma_semaphore, #tpu.memory_space<semaphore_mem>>
      %dma_start3A_23 = arith.constant 0 : i32
      %dma_start3A_24 = arith.constant 0 : i32
      %dma_start3A_25 = tpu.memref_slice %arg3[%run_scoped3A, %add3A, %dma_start3A_23, %dma_start3A_24] : memref<2x32x25x128xi32, #tpu.memory_space<hbm>> -> memref<1x1x25x128xi32, #tpu.memory_space<hbm>>
      %dma_start3A_26 = tpu.memref_squeeze %dma_start3A_25 : memref<1x1x25x128xi32, #tpu.memory_space<hbm>> -> memref<25x128xi32, #tpu.memory_space<hbm>>
      %dma_start3A_27 = arith.constant 0 : i32
      %dma_start3A_28 = arith.constant 0 : i32
      %dma_start3A_29 = tpu.memref_slice %arg3[%run_scoped3A, %add3A, %dma_start3A_27, %dma_start3A_28] : memref<2x32x25x128xi32, #tpu.memory_space<hbm>> -> memref<1x1x25x128xi32, #tpu.memory_space<hbm>>
      %dma_start3A_30 = tpu.memref_squeeze %dma_start3A_29 : memref<1x1x25x128xi32, #tpu.memory_space<hbm>> -> memref<25x128xi32, #tpu.memory_space<hbm>>
      tpu.enqueue_dma source(%dma_start3A_30 : memref<25x128xi32, #tpu.memory_space<hbm>>) target(%arg5 : memref<25x128xi32, #tpu.memory_space<vmem>>) target_semaphore(%run_scoped3A_22 : memref<!tpu.dma_semaphore, #tpu.memory_space<semaphore_mem>>)
      %dma_wait3A_31 = arith.constant 0 : i32
      %dma_wait3A_32 = arith.constant 0 : i32
      %dma_wait3A_33 = tpu.memref_slice %arg3[%run_scoped3A, %add3A, %dma_wait3A_31, %dma_wait3A_32] : memref<2x32x25x128xi32, #tpu.memory_space<hbm>> -> memref<1x1x25x128xi32, #tpu.memory_space<hbm>>
      %dma_wait3A_34 = tpu.memref_squeeze %dma_wait3A_33 : memref<1x1x25x128xi32, #tpu.memory_space<hbm>> -> memref<25x128xi32, #tpu.memory_space<hbm>>
      %dma_wait3A_35 = arith.constant 0 : i32
      %dma_wait3A_36 = arith.constant 0 : i32
      %dma_wait3A_37 = tpu.memref_slice %arg3[%run_scoped3A, %add3A, %dma_wait3A_35, %dma_wait3A_36] : memref<2x32x25x128xi32, #tpu.memory_space<hbm>> -> memref<1x1x25x128xi32, #tpu.memory_space<hbm>>
      %dma_wait3A_38 = tpu.memref_squeeze %dma_wait3A_37 : memref<1x1x25x128xi32, #tpu.memory_space<hbm>> -> memref<25x128xi32, #tpu.memory_space<hbm>>
      tpu.wait_dma2 semaphore(%run_scoped3A_22 : memref<!tpu.dma_semaphore, #tpu.memory_space<semaphore_mem>>) src(%dma_wait3A_38 : memref<25x128xi32, #tpu.memory_space<hbm>>) dst(%arg5 : memref<25x128xi32, #tpu.memory_space<vmem>>)
      tpu.yield
    }) : () -> ()
    %dma_start3A = arith.constant 0 : i32
    %dma_start3A_3 = arith.constant 0 : i32
    %dma_start3A_4 = tpu.memref_slice %arg5[%dma_start3A, %dma_start3A_3] : memref<25x128xi32, #tpu.memory_space<vmem>> -> memref<1x128xi32, #tpu.memory_space<vmem>>
    %dma_start3A_5 = tpu.memref_squeeze %dma_start3A_4 : memref<1x128xi32, #tpu.memory_space<vmem>> -> memref<128xi32, #tpu.memory_space<vmem>>
    %dma_start3A_6 = arith.constant 0 : i32
    %dma_start3A_7 = arith.constant 0 : i32
    %dma_start3A_8 = tpu.memref_slice %arg2[%dma_start3A_6, %dma_start3A_7] : memref<100000x128xf32, #tpu.memory_space<hbm>> -> memref<100000x128xf32, #tpu.memory_space<hbm>>
    tpu.enqueue_indirect_dma source(%dma_start3A_8 : memref<100000x128xf32, #tpu.memory_space<hbm>>) target(%arg6 : memref<128x128xf32, #tpu.memory_space<vmem>>) offsets(%dma_start3A_5 : memref<128xi32, #tpu.memory_space<vmem>>) semaphore(%arg8 : memref<!tpu.dma_semaphore, #tpu.memory_space<semaphore_mem>>)
    %scan3A = arith.constant 0 : i32
    %scan3A_9 = arith.constant 0 : i32
    %scan3A_10 = arith.constant 12 : i32
    %scan3A_11 = arith.addi %scan3A_9, %scan3A_10 : i32
    %scan3A_12 = arith.constant 1 : i32
    scf.for %scan3A_22 = %scan3A_9 to %scan3A_11 step %scan3A_12  : i32 {
      %mul3A_23 = arith.constant 2 : i32
      %mul3A_24 = arith.muli %mul3A_23, %scan3A_22 : i32
      %add3A_25 = arith.constant 1 : i32
      %add3A_26 = arith.addi %mul3A_24, %add3A_25 : i32
      %dma_start3A_27 = arith.constant 0 : i32
      %dma_start3A_28 = tpu.memref_slice %arg5[%add3A_26, %dma_start3A_27] : memref<25x128xi32, #tpu.memory_space<vmem>> -> memref<1x128xi32, #tpu.memory_space<vmem>>
      %dma_start3A_29 = tpu.memref_squeeze %dma_start3A_28 : memref<1x128xi32, #tpu.memory_space<vmem>> -> memref<128xi32, #tpu.memory_space<vmem>>
      %dma_start3A_30 = arith.constant 0 : i32
      %dma_start3A_31 = arith.constant 0 : i32
      %dma_start3A_32 = tpu.memref_slice %arg2[%dma_start3A_30, %dma_start3A_31] : memref<100000x128xf32, #tpu.memory_space<hbm>> -> memref<100000x128xf32, #tpu.memory_space<hbm>>
      tpu.enqueue_indirect_dma source(%dma_start3A_32 : memref<100000x128xf32, #tpu.memory_space<hbm>>) target(%arg7 : memref<128x128xf32, #tpu.memory_space<vmem>>) offsets(%dma_start3A_29 : memref<128xi32, #tpu.memory_space<vmem>>) semaphore(%arg9 : memref<!tpu.dma_semaphore, #tpu.memory_space<semaphore_mem>>)
      %dma_wait3A_33 = arith.constant 0 : i32
      %dma_wait3A_34 = tpu.memref_slice %arg5[%mul3A_24, %dma_wait3A_33] : memref<25x128xi32, #tpu.memory_space<vmem>> -> memref<1x128xi32, #tpu.memory_space<vmem>>
      %dma_wait3A_35 = tpu.memref_squeeze %dma_wait3A_34 : memref<1x128xi32, #tpu.memory_space<vmem>> -> memref<128xi32, #tpu.memory_space<vmem>>
      %dma_wait3A_36 = arith.constant 0 : i32
      %dma_wait3A_37 = arith.constant 0 : i32
      %dma_wait3A_38 = tpu.memref_slice %arg2[%dma_wait3A_36, %dma_wait3A_37] : memref<100000x128xf32, #tpu.memory_space<hbm>> -> memref<100000x128xf32, #tpu.memory_space<hbm>>
      tpu.wait_indirect_dma semaphore(%arg8 : memref<!tpu.dma_semaphore, #tpu.memory_space<semaphore_mem>>) src(%dma_wait3A_38 : memref<100000x128xf32, #tpu.memory_space<hbm>>) dst(%arg6 : memref<128x128xf32, #tpu.memory_space<vmem>>)
      %mul3A_39 = arith.constant 128 : i32
      %mul3A_40 = arith.muli %mul3A_24, %mul3A_39 : i32
      %add3A_41 = arith.addi %mul3A_2, %mul3A_40 : i32
      "tpu.region"() ({
        %run_scoped3A_61 = tpu.sem_alloc : memref<!tpu.dma_semaphore, #tpu.memory_space<semaphore_mem>>
        %dma_start3A_62 = arith.constant 0 : i32
        %dma_start3A_63 = tpu.memref_slice %arg4[%add3A_41, %dma_start3A_62] : memref<102400x128xf32, #tpu.memory_space<hbm>> -> memref<128x128xf32, #tpu.memory_space<hbm>>
        %dma_start3A_64 = arith.constant 0 : i32
        %dma_start3A_65 = tpu.memref_slice %arg4[%add3A_41, %dma_start3A_64] : memref<102400x128xf32, #tpu.memory_space<hbm>> -> memref<128x128xf32, #tpu.memory_space<hbm>>
        tpu.enqueue_dma source(%arg6 : memref<128x128xf32, #tpu.memory_space<vmem>>) target(%dma_start3A_65 : memref<128x128xf32, #tpu.memory_space<hbm>>) target_semaphore(%run_scoped3A_61 : memref<!tpu.dma_semaphore, #tpu.memory_space<semaphore_mem>>)
        %dma_wait3A_66 = arith.constant 0 : i32
        %dma_wait3A_67 = tpu.memref_slice %arg4[%add3A_41, %dma_wait3A_66] : memref<102400x128xf32, #tpu.memory_space<hbm>> -> memref<128x128xf32, #tpu.memory_space<hbm>>
        %dma_wait3A_68 = arith.constant 0 : i32
        %dma_wait3A_69 = tpu.memref_slice %arg4[%add3A_41, %dma_wait3A_68] : memref<102400x128xf32, #tpu.memory_space<hbm>> -> memref<128x128xf32, #tpu.memory_space<hbm>>
        tpu.wait_dma2 semaphore(%run_scoped3A_61 : memref<!tpu.dma_semaphore, #tpu.memory_space<semaphore_mem>>) src(%arg6 : memref<128x128xf32, #tpu.memory_space<vmem>>) dst(%dma_wait3A_69 : memref<128x128xf32, #tpu.memory_space<hbm>>)
        tpu.yield
      }) : () -> ()
      %mul3A_42 = arith.constant 2 : i32
      %mul3A_43 = arith.muli %mul3A_42, %scan3A_22 : i32
      %add3A_44 = arith.constant 2 : i32
      %add3A_45 = arith.addi %mul3A_43, %add3A_44 : i32
      %lt3A = arith.constant 25 : i32
      %lt3A_46 = arith.cmpi slt, %add3A_45, %lt3A : i32
      %convert_element_type3A = arith.extui %lt3A_46 : i1 to i32
      %cond3A = arith.constant 0 : i32
      %cond3A_47 = arith.cmpi ne, %convert_element_type3A, %cond3A : i32
      scf.if %cond3A_47 {
        %add3A_61 = arith.constant 2 : i32
        %add3A_62 = arith.addi %mul3A_24, %add3A_61 : i32
        %dma_start3A_63 = arith.constant 0 : i32
        %dma_start3A_64 = tpu.memref_slice %arg5[%add3A_62, %dma_start3A_63] : memref<25x128xi32, #tpu.memory_space<vmem>> -> memref<1x128xi32, #tpu.memory_space<vmem>>
        %dma_start3A_65 = tpu.memref_squeeze %dma_start3A_64 : memref<1x128xi32, #tpu.memory_space<vmem>> -> memref<128xi32, #tpu.memory_space<vmem>>
        %dma_start3A_66 = arith.constant 0 : i32
        %dma_start3A_67 = arith.constant 0 : i32
        %dma_start3A_68 = tpu.memref_slice %arg2[%dma_start3A_66, %dma_start3A_67] : memref<100000x128xf32, #tpu.memory_space<hbm>> -> memref<100000x128xf32, #tpu.memory_space<hbm>>
        tpu.enqueue_indirect_dma source(%dma_start3A_68 : memref<100000x128xf32, #tpu.memory_space<hbm>>) target(%arg6 : memref<128x128xf32, #tpu.memory_space<vmem>>) offsets(%dma_start3A_65 : memref<128xi32, #tpu.memory_space<vmem>>) semaphore(%arg8 : memref<!tpu.dma_semaphore, #tpu.memory_space<semaphore_mem>>)
      } else {
      }
      %add3A_48 = arith.constant 1 : i32
      %add3A_49 = arith.addi %mul3A_24, %add3A_48 : i32
      %dma_wait3A_50 = arith.constant 0 : i32
      %dma_wait3A_51 = tpu.memref_slice %arg5[%add3A_49, %dma_wait3A_50] : memref<25x128xi32, #tpu.memory_space<vmem>> -> memref<1x128xi32, #tpu.memory_space<vmem>>
      %dma_wait3A_52 = tpu.memref_squeeze %dma_wait3A_51 : memref<1x128xi32, #tpu.memory_space<vmem>> -> memref<128xi32, #tpu.memory_space<vmem>>
      %dma_wait3A_53 = arith.constant 0 : i32
      %dma_wait3A_54 = arith.constant 0 : i32
      %dma_wait3A_55 = tpu.memref_slice %arg2[%dma_wait3A_53, %dma_wait3A_54] : memref<100000x128xf32, #tpu.memory_space<hbm>> -> memref<100000x128xf32, #tpu.memory_space<hbm>>
      tpu.wait_indirect_dma semaphore(%arg9 : memref<!tpu.dma_semaphore, #tpu.memory_space<semaphore_mem>>) src(%dma_wait3A_55 : memref<100000x128xf32, #tpu.memory_space<hbm>>) dst(%arg7 : memref<128x128xf32, #tpu.memory_space<vmem>>)
      %add3A_56 = arith.constant 1 : i32
      %add3A_57 = arith.addi %mul3A_24, %add3A_56 : i32
      %mul3A_58 = arith.constant 128 : i32
      %mul3A_59 = arith.muli %add3A_57, %mul3A_58 : i32
      %add3A_60 = arith.addi %mul3A_2, %mul3A_59 : i32
      "tpu.region"() ({
        %run_scoped3A_61 = tpu.sem_alloc : memref<!tpu.dma_semaphore, #tpu.memory_space<semaphore_mem>>
        %dma_start3A_62 = arith.constant 0 : i32
        %dma_start3A_63 = tpu.memref_slice %arg4[%add3A_60, %dma_start3A_62] : memref<102400x128xf32, #tpu.memory_space<hbm>> -> memref<128x128xf32, #tpu.memory_space<hbm>>
        %dma_start3A_64 = arith.constant 0 : i32
        %dma_start3A_65 = tpu.memref_slice %arg4[%add3A_60, %dma_start3A_64] : memref<102400x128xf32, #tpu.memory_space<hbm>> -> memref<128x128xf32, #tpu.memory_space<hbm>>
        tpu.enqueue_dma source(%arg7 : memref<128x128xf32, #tpu.memory_space<vmem>>) target(%dma_start3A_65 : memref<128x128xf32, #tpu.memory_space<hbm>>) target_semaphore(%run_scoped3A_61 : memref<!tpu.dma_semaphore, #tpu.memory_space<semaphore_mem>>)
        %dma_wait3A_66 = arith.constant 0 : i32
        %dma_wait3A_67 = tpu.memref_slice %arg4[%add3A_60, %dma_wait3A_66] : memref<102400x128xf32, #tpu.memory_space<hbm>> -> memref<128x128xf32, #tpu.memory_space<hbm>>
        %dma_wait3A_68 = arith.constant 0 : i32
        %dma_wait3A_69 = tpu.memref_slice %arg4[%add3A_60, %dma_wait3A_68] : memref<102400x128xf32, #tpu.memory_space<hbm>> -> memref<128x128xf32, #tpu.memory_space<hbm>>
        tpu.wait_dma2 semaphore(%run_scoped3A_61 : memref<!tpu.dma_semaphore, #tpu.memory_space<semaphore_mem>>) src(%arg7 : memref<128x128xf32, #tpu.memory_space<vmem>>) dst(%dma_wait3A_69 : memref<128x128xf32, #tpu.memory_space<hbm>>)
        tpu.yield
      }) : () -> ()
    }
    %scan3A_13 = arith.constant 12 : i32
    %dma_wait3A = arith.constant 24 : i32
    %dma_wait3A_14 = arith.constant 0 : i32
    %dma_wait3A_15 = tpu.memref_slice %arg5[%dma_wait3A, %dma_wait3A_14] : memref<25x128xi32, #tpu.memory_space<vmem>> -> memref<1x128xi32, #tpu.memory_space<vmem>>
    %dma_wait3A_16 = tpu.memref_squeeze %dma_wait3A_15 : memref<1x128xi32, #tpu.memory_space<vmem>> -> memref<128xi32, #tpu.memory_space<vmem>>
    %dma_wait3A_17 = arith.constant 0 : i32
    %dma_wait3A_18 = arith.constant 0 : i32
    %dma_wait3A_19 = tpu.memref_slice %arg2[%dma_wait3A_17, %dma_wait3A_18] : memref<100000x128xf32, #tpu.memory_space<hbm>> -> memref<100000x128xf32, #tpu.memory_space<hbm>>
    tpu.wait_indirect_dma semaphore(%arg8 : memref<!tpu.dma_semaphore, #tpu.memory_space<semaphore_mem>>) src(%dma_wait3A_19 : memref<100000x128xf32, #tpu.memory_space<hbm>>) dst(%arg6 : memref<128x128xf32, #tpu.memory_space<vmem>>)
    %add3A_20 = arith.constant 3072 : i32
    %add3A_21 = arith.addi %mul3A_2, %add3A_20 : i32
    "tpu.region"() ({
      %run_scoped3A_22 = tpu.sem_alloc : memref<!tpu.dma_semaphore, #tpu.memory_space<semaphore_mem>>
      %dma_start3A_23 = arith.constant 0 : i32
      %dma_start3A_24 = tpu.memref_slice %arg4[%add3A_21, %dma_start3A_23] : memref<102400x128xf32, #tpu.memory_space<hbm>> -> memref<128x128xf32, #tpu.memory_space<hbm>>
      %dma_start3A_25 = arith.constant 0 : i32
      %dma_start3A_26 = tpu.memref_slice %arg4[%add3A_21, %dma_start3A_25] : memref<102400x128xf32, #tpu.memory_space<hbm>> -> memref<128x128xf32, #tpu.memory_space<hbm>>
      tpu.enqueue_dma source(%arg6 : memref<128x128xf32, #tpu.memory_space<vmem>>) target(%dma_start3A_26 : memref<128x128xf32, #tpu.memory_space<hbm>>) target_semaphore(%run_scoped3A_22 : memref<!tpu.dma_semaphore, #tpu.memory_space<semaphore_mem>>)
      %dma_wait3A_27 = arith.constant 0 : i32
      %dma_wait3A_28 = tpu.memref_slice %arg4[%add3A_21, %dma_wait3A_27] : memref<102400x128xf32, #tpu.memory_space<hbm>> -> memref<128x128xf32, #tpu.memory_space<hbm>>
      %dma_wait3A_29 = arith.constant 0 : i32
      %dma_wait3A_30 = tpu.memref_slice %arg4[%add3A_21, %dma_wait3A_29] : memref<102400x128xf32, #tpu.memory_space<hbm>> -> memref<128x128xf32, #tpu.memory_space<hbm>>
      tpu.wait_dma2 semaphore(%run_scoped3A_22 : memref<!tpu.dma_semaphore, #tpu.memory_space<semaphore_mem>>) src(%arg6 : memref<128x128xf32, #tpu.memory_space<vmem>>) dst(%dma_wait3A_30 : memref<128x128xf32, #tpu.memory_space<hbm>>)
      tpu.yield
    }) : () -> ()
    return
  }
}

#map = affine_map<(d0, d1) -> (0, 0)>
#map1 = affine_map<(d0, d1) -> (0, 0, 0, 0)>
module attributes {stable_mosaic.version = 14 : i64} {
  func.func @k(%arg0: i32, %arg1: i32, %arg2: memref<100000x128xf32, #tpu.memory_space<hbm>>, %arg3: memref<2x32x25x128xi32, #tpu.memory_space<hbm>>, %arg4: memref<102400x128xf32, #tpu.memory_space<hbm>>, %arg5: memref<25x128xi32, #tpu.memory_space<vmem>>, %arg6: memref<128x128xf32, #tpu.memory_space<vmem>>, %arg7: memref<128x128xf32, #tpu.memory_space<vmem>>, %arg8: memref<!tpu.dma_semaphore, #tpu.memory_space<semaphore_mem>>, %arg9: memref<!tpu.dma_semaphore, #tpu.memory_space<semaphore_mem>>) attributes {dimension_semantics = [#tpu.dimension_semantics<core_parallel>, #tpu.dimension_semantics<subcore_parallel>], iteration_bounds = array<i64: 2, 16>, scalar_prefetch = 0 : i64, scratch_operands = 5 : i64, tpu.core_type = #tpu.core_type<sc_vector_subcore>, window_params = [{transform_indices = #map}, {transform_indices = #map1}, {transform_indices = #map}]} {
    %mul3A = arith.constant 2 : i32
    %mul3A_0 = arith.muli %arg1, %mul3A : i32
    %add3A = arith.addi %mul3A_0, %arg0 : i32
    %mul3A_1 = arith.constant 3200 : i32
    %mul3A_2 = arith.muli %add3A, %mul3A_1 : i32
    %run_scoped3A = arith.constant 0 : i32
    "tpu.region"() ({
      %run_scoped3A_22 = tpu.sem_alloc : memref<!tpu.dma_semaphore, #tpu.memory_space<semaphore_mem>>
      %dma_start3A_23 = arith.constant 0 : i32
      %dma_start3A_24 = arith.constant 0 : i32
      %dma_start3A_25 = tpu.memref_slice %arg3[%run_scoped3A, %add3A, %dma_start3A_23, %dma_start3A_24] : memref<2x32x25x128xi32, #tpu.memory_space<hbm>> -> memref<1x1x25x128xi32, #tpu.memory_space<hbm>>
      %dma_start3A_26 = tpu.memref_squeeze %dma_start3A_25 : memref<1x1x25x128xi32, #tpu.memory_space<hbm>> -> memref<25x128xi32, #tpu.memory_space<hbm>>
      %dma_start3A_27 = arith.constant 0 : i32
      %dma_start3A_28 = arith.constant 0 : i32
      %dma_start3A_29 = tpu.memref_slice %arg3[%run_scoped3A, %add3A, %dma_start3A_27, %dma_start3A_28] : memref<2x32x25x128xi32, #tpu.memory_space<hbm>> -> memref<1x1x25x128xi32, #tpu.memory_space<hbm>>
      %dma_start3A_30 = tpu.memref_squeeze %dma_start3A_29 : memref<1x1x25x128xi32, #tpu.memory_space<hbm>> -> memref<25x128xi32, #tpu.memory_space<hbm>>
      tpu.enqueue_dma source(%dma_start3A_30 : memref<25x128xi32, #tpu.memory_space<hbm>>) target(%arg5 : memref<25x128xi32, #tpu.memory_space<vmem>>) target_semaphore(%run_scoped3A_22 : memref<!tpu.dma_semaphore, #tpu.memory_space<semaphore_mem>>)
      %dma_wait3A_31 = arith.constant 0 : i32
      %dma_wait3A_32 = arith.constant 0 : i32
      %dma_wait3A_33 = tpu.memref_slice %arg3[%run_scoped3A, %add3A, %dma_wait3A_31, %dma_wait3A_32] : memref<2x32x25x128xi32, #tpu.memory_space<hbm>> -> memref<1x1x25x128xi32, #tpu.memory_space<hbm>>
      %dma_wait3A_34 = tpu.memref_squeeze %dma_wait3A_33 : memref<1x1x25x128xi32, #tpu.memory_space<hbm>> -> memref<25x128xi32, #tpu.memory_space<hbm>>
      %dma_wait3A_35 = arith.constant 0 : i32
      %dma_wait3A_36 = arith.constant 0 : i32
      %dma_wait3A_37 = tpu.memref_slice %arg3[%run_scoped3A, %add3A, %dma_wait3A_35, %dma_wait3A_36] : memref<2x32x25x128xi32, #tpu.memory_space<hbm>> -> memref<1x1x25x128xi32, #tpu.memory_space<hbm>>
      %dma_wait3A_38 = tpu.memref_squeeze %dma_wait3A_37 : memref<1x1x25x128xi32, #tpu.memory_space<hbm>> -> memref<25x128xi32, #tpu.memory_space<hbm>>
      tpu.wait_dma2 semaphore(%run_scoped3A_22 : memref<!tpu.dma_semaphore, #tpu.memory_space<semaphore_mem>>) src(%dma_wait3A_38 : memref<25x128xi32, #tpu.memory_space<hbm>>) dst(%arg5 : memref<25x128xi32, #tpu.memory_space<vmem>>)
      tpu.yield
    }) : () -> ()
    %dma_start3A = arith.constant 0 : i32
    %dma_start3A_3 = arith.constant 0 : i32
    %dma_start3A_4 = tpu.memref_slice %arg5[%dma_start3A, %dma_start3A_3] : memref<25x128xi32, #tpu.memory_space<vmem>> -> memref<1x128xi32, #tpu.memory_space<vmem>>
    %dma_start3A_5 = tpu.memref_squeeze %dma_start3A_4 : memref<1x128xi32, #tpu.memory_space<vmem>> -> memref<128xi32, #tpu.memory_space<vmem>>
    %dma_start3A_6 = arith.constant 0 : i32
    %dma_start3A_7 = arith.constant 0 : i32
    %dma_start3A_8 = tpu.memref_slice %arg2[%dma_start3A_6, %dma_start3A_7] : memref<100000x128xf32, #tpu.memory_space<hbm>> -> memref<100000x128xf32, #tpu.memory_space<hbm>>
    tpu.enqueue_indirect_dma source(%dma_start3A_8 : memref<100000x128xf32, #tpu.memory_space<hbm>>) target(%arg6 : memref<128x128xf32, #tpu.memory_space<vmem>>) offsets(%dma_start3A_5 : memref<128xi32, #tpu.memory_space<vmem>>) semaphore(%arg8 : memref<!tpu.dma_semaphore, #tpu.memory_space<semaphore_mem>>)
    %scan3A = arith.constant 0 : i32
    %scan3A_9 = arith.constant 0 : i32
    %scan3A_10 = arith.constant 12 : i32
    %scan3A_11 = arith.addi %scan3A_9, %scan3A_10 : i32
    %scan3A_12 = arith.constant 1 : i32
    scf.for %scan3A_22 = %scan3A_9 to %scan3A_11 step %scan3A_12  : i32 {
      %mul3A_23 = arith.constant 2 : i32
      %mul3A_24 = arith.muli %mul3A_23, %scan3A_22 : i32
      %add3A_25 = arith.constant 1 : i32
      %add3A_26 = arith.addi %mul3A_24, %add3A_25 : i32
      %dma_start3A_27 = arith.constant 0 : i32
      %dma_start3A_28 = tpu.memref_slice %arg5[%add3A_26, %dma_start3A_27] : memref<25x128xi32, #tpu.memory_space<vmem>> -> memref<1x128xi32, #tpu.memory_space<vmem>>
      %dma_start3A_29 = tpu.memref_squeeze %dma_start3A_28 : memref<1x128xi32, #tpu.memory_space<vmem>> -> memref<128xi32, #tpu.memory_space<vmem>>
      %dma_start3A_30 = arith.constant 0 : i32
      %dma_start3A_31 = arith.constant 0 : i32
      %dma_start3A_32 = tpu.memref_slice %arg2[%dma_start3A_30, %dma_start3A_31] : memref<100000x128xf32, #tpu.memory_space<hbm>> -> memref<100000x128xf32, #tpu.memory_space<hbm>>
      tpu.enqueue_indirect_dma source(%dma_start3A_32 : memref<100000x128xf32, #tpu.memory_space<hbm>>) target(%arg7 : memref<128x128xf32, #tpu.memory_space<vmem>>) offsets(%dma_start3A_29 : memref<128xi32, #tpu.memory_space<vmem>>) semaphore(%arg9 : memref<!tpu.dma_semaphore, #tpu.memory_space<semaphore_mem>>)
      %dma_wait3A_33 = arith.constant 0 : i32
      %dma_wait3A_34 = tpu.memref_slice %arg5[%mul3A_24, %dma_wait3A_33] : memref<25x128xi32, #tpu.memory_space<vmem>> -> memref<1x128xi32, #tpu.memory_space<vmem>>
      %dma_wait3A_35 = tpu.memref_squeeze %dma_wait3A_34 : memref<1x128xi32, #tpu.memory_space<vmem>> -> memref<128xi32, #tpu.memory_space<vmem>>
      %dma_wait3A_36 = arith.constant 0 : i32
      %dma_wait3A_37 = arith.constant 0 : i32
      %dma_wait3A_38 = tpu.memref_slice %arg2[%dma_wait3A_36, %dma_wait3A_37] : memref<100000x128xf32, #tpu.memory_space<hbm>> -> memref<100000x128xf32, #tpu.memory_space<hbm>>
      tpu.wait_indirect_dma semaphore(%arg8 : memref<!tpu.dma_semaphore, #tpu.memory_space<semaphore_mem>>) src(%dma_wait3A_38 : memref<100000x128xf32, #tpu.memory_space<hbm>>) dst(%arg6 : memref<128x128xf32, #tpu.memory_space<vmem>>)
      %mul3A_39 = arith.constant 128 : i32
      %mul3A_40 = arith.muli %mul3A_24, %mul3A_39 : i32
      %add3A_41 = arith.addi %mul3A_2, %mul3A_40 : i32
      "tpu.region"() ({
        %run_scoped3A_61 = tpu.sem_alloc : memref<!tpu.dma_semaphore, #tpu.memory_space<semaphore_mem>>
        %dma_start3A_62 = arith.constant 0 : i32
        %dma_start3A_63 = tpu.memref_slice %arg4[%add3A_41, %dma_start3A_62] : memref<102400x128xf32, #tpu.memory_space<hbm>> -> memref<128x128xf32, #tpu.memory_space<hbm>>
        %dma_start3A_64 = arith.constant 0 : i32
        %dma_start3A_65 = tpu.memref_slice %arg4[%add3A_41, %dma_start3A_64] : memref<102400x128xf32, #tpu.memory_space<hbm>> -> memref<128x128xf32, #tpu.memory_space<hbm>>
        tpu.enqueue_dma source(%arg6 : memref<128x128xf32, #tpu.memory_space<vmem>>) target(%dma_start3A_65 : memref<128x128xf32, #tpu.memory_space<hbm>>) target_semaphore(%run_scoped3A_61 : memref<!tpu.dma_semaphore, #tpu.memory_space<semaphore_mem>>)
        %dma_wait3A_66 = arith.constant 0 : i32
        %dma_wait3A_67 = tpu.memref_slice %arg4[%add3A_41, %dma_wait3A_66] : memref<102400x128xf32, #tpu.memory_space<hbm>> -> memref<128x128xf32, #tpu.memory_space<hbm>>
        %dma_wait3A_68 = arith.constant 0 : i32
        %dma_wait3A_69 = tpu.memref_slice %arg4[%add3A_41, %dma_wait3A_68] : memref<102400x128xf32, #tpu.memory_space<hbm>> -> memref<128x128xf32, #tpu.memory_space<hbm>>
        tpu.wait_dma2 semaphore(%run_scoped3A_61 : memref<!tpu.dma_semaphore, #tpu.memory_space<semaphore_mem>>) src(%arg6 : memref<128x128xf32, #tpu.memory_space<vmem>>) dst(%dma_wait3A_69 : memref<128x128xf32, #tpu.memory_space<hbm>>)
        tpu.yield
      }) : () -> ()
      %mul3A_42 = arith.constant 2 : i32
      %mul3A_43 = arith.muli %mul3A_42, %scan3A_22 : i32
      %add3A_44 = arith.constant 2 : i32
      %add3A_45 = arith.addi %mul3A_43, %add3A_44 : i32
      %lt3A = arith.constant 25 : i32
      %lt3A_46 = arith.cmpi slt, %add3A_45, %lt3A : i32
      %convert_element_type3A = arith.extui %lt3A_46 : i1 to i32
      %cond3A = arith.constant 0 : i32
      %cond3A_47 = arith.cmpi ne, %convert_element_type3A, %cond3A : i32
      scf.if %cond3A_47 {
        %add3A_61 = arith.constant 2 : i32
        %add3A_62 = arith.addi %mul3A_24, %add3A_61 : i32
        %dma_start3A_63 = arith.constant 0 : i32
        %dma_start3A_64 = tpu.memref_slice %arg5[%add3A_62, %dma_start3A_63] : memref<25x128xi32, #tpu.memory_space<vmem>> -> memref<1x128xi32, #tpu.memory_space<vmem>>
        %dma_start3A_65 = tpu.memref_squeeze %dma_start3A_64 : memref<1x128xi32, #tpu.memory_space<vmem>> -> memref<128xi32, #tpu.memory_space<vmem>>
        %dma_start3A_66 = arith.constant 0 : i32
        %dma_start3A_67 = arith.constant 0 : i32
        %dma_start3A_68 = tpu.memref_slice %arg2[%dma_start3A_66, %dma_start3A_67] : memref<100000x128xf32, #tpu.memory_space<hbm>> -> memref<100000x128xf32, #tpu.memory_space<hbm>>
        tpu.enqueue_indirect_dma source(%dma_start3A_68 : memref<100000x128xf32, #tpu.memory_space<hbm>>) target(%arg6 : memref<128x128xf32, #tpu.memory_space<vmem>>) offsets(%dma_start3A_65 : memref<128xi32, #tpu.memory_space<vmem>>) semaphore(%arg8 : memref<!tpu.dma_semaphore, #tpu.memory_space<semaphore_mem>>)
      } else {
      }
      %add3A_48 = arith.constant 1 : i32
      %add3A_49 = arith.addi %mul3A_24, %add3A_48 : i32
      %dma_wait3A_50 = arith.constant 0 : i32
      %dma_wait3A_51 = tpu.memref_slice %arg5[%add3A_49, %dma_wait3A_50] : memref<25x128xi32, #tpu.memory_space<vmem>> -> memref<1x128xi32, #tpu.memory_space<vmem>>
      %dma_wait3A_52 = tpu.memref_squeeze %dma_wait3A_51 : memref<1x128xi32, #tpu.memory_space<vmem>> -> memref<128xi32, #tpu.memory_space<vmem>>
      %dma_wait3A_53 = arith.constant 0 : i32
      %dma_wait3A_54 = arith.constant 0 : i32
      %dma_wait3A_55 = tpu.memref_slice %arg2[%dma_wait3A_53, %dma_wait3A_54] : memref<100000x128xf32, #tpu.memory_space<hbm>> -> memref<100000x128xf32, #tpu.memory_space<hbm>>
      tpu.wait_indirect_dma semaphore(%arg9 : memref<!tpu.dma_semaphore, #tpu.memory_space<semaphore_mem>>) src(%dma_wait3A_55 : memref<100000x128xf32, #tpu.memory_space<hbm>>) dst(%arg7 : memref<128x128xf32, #tpu.memory_space<vmem>>)
      %add3A_56 = arith.constant 1 : i32
      %add3A_57 = arith.addi %mul3A_24, %add3A_56 : i32
      %mul3A_58 = arith.constant 128 : i32
      %mul3A_59 = arith.muli %add3A_57, %mul3A_58 : i32
      %add3A_60 = arith.addi %mul3A_2, %mul3A_59 : i32
      "tpu.region"() ({
        %run_scoped3A_61 = tpu.sem_alloc : memref<!tpu.dma_semaphore, #tpu.memory_space<semaphore_mem>>
        %dma_start3A_62 = arith.constant 0 : i32
        %dma_start3A_63 = tpu.memref_slice %arg4[%add3A_60, %dma_start3A_62] : memref<102400x128xf32, #tpu.memory_space<hbm>> -> memref<128x128xf32, #tpu.memory_space<hbm>>
        %dma_start3A_64 = arith.constant 0 : i32
        %dma_start3A_65 = tpu.memref_slice %arg4[%add3A_60, %dma_start3A_64] : memref<102400x128xf32, #tpu.memory_space<hbm>> -> memref<128x128xf32, #tpu.memory_space<hbm>>
        tpu.enqueue_dma source(%arg7 : memref<128x128xf32, #tpu.memory_space<vmem>>) target(%dma_start3A_65 : memref<128x128xf32, #tpu.memory_space<hbm>>) target_semaphore(%run_scoped3A_61 : memref<!tpu.dma_semaphore, #tpu.memory_space<semaphore_mem>>)
        %dma_wait3A_66 = arith.constant 0 : i32
        %dma_wait3A_67 = tpu.memref_slice %arg4[%add3A_60, %dma_wait3A_66] : memref<102400x128xf32, #tpu.memory_space<hbm>> -> memref<128x128xf32, #tpu.memory_space<hbm>>
        %dma_wait3A_68 = arith.constant 0 : i32
        %dma_wait3A_69 = tpu.memref_slice %arg4[%add3A_60, %dma_wait3A_68] : memref<102400x128xf32, #tpu.memory_space<hbm>> -> memref<128x128xf32, #tpu.memory_space<hbm>>
        tpu.wait_dma2 semaphore(%run_scoped3A_61 : memref<!tpu.dma_semaphore, #tpu.memory_space<semaphore_mem>>) src(%arg7 : memref<128x128xf32, #tpu.memory_space<vmem>>) dst(%dma_wait3A_69 : memref<128x128xf32, #tpu.memory_space<hbm>>)
        tpu.yield
      }) : () -> ()
    }
    %scan3A_13 = arith.constant 12 : i32
    %dma_wait3A = arith.constant 24 : i32
    %dma_wait3A_14 = arith.constant 0 : i32
    %dma_wait3A_15 = tpu.memref_slice %arg5[%dma_wait3A, %dma_wait3A_14] : memref<25x128xi32, #tpu.memory_space<vmem>> -> memref<1x128xi32, #tpu.memory_space<vmem>>
    %dma_wait3A_16 = tpu.memref_squeeze %dma_wait3A_15 : memref<1x128xi32, #tpu.memory_space<vmem>> -> memref<128xi32, #tpu.memory_space<vmem>>
    %dma_wait3A_17 = arith.constant 0 : i32
    %dma_wait3A_18 = arith.constant 0 : i32
    %dma_wait3A_19 = tpu.memref_slice %arg2[%dma_wait3A_17, %dma_wait3A_18] : memref<100000x128xf32, #tpu.memory_space<hbm>> -> memref<100000x128xf32, #tpu.memory_space<hbm>>
    tpu.wait_indirect_dma semaphore(%arg8 : memref<!tpu.dma_semaphore, #tpu.memory_space<semaphore_mem>>) src(%dma_wait3A_19 : memref<100000x128xf32, #tpu.memory_space<hbm>>) dst(%arg6 : memref<128x128xf32, #tpu.memory_space<vmem>>)
    %add3A_20 = arith.constant 3072 : i32
    %add3A_21 = arith.addi %mul3A_2, %add3A_20 : i32
    "tpu.region"() ({
      %run_scoped3A_22 = tpu.sem_alloc : memref<!tpu.dma_semaphore, #tpu.memory_space<semaphore_mem>>
      %dma_start3A_23 = arith.constant 0 : i32
      %dma_start3A_24 = tpu.memref_slice %arg4[%add3A_21, %dma_start3A_23] : memref<102400x128xf32, #tpu.memory_space<hbm>> -> memref<128x128xf32, #tpu.memory_space<hbm>>
      %dma_start3A_25 = arith.constant 0 : i32
      %dma_start3A_26 = tpu.memref_slice %arg4[%add3A_21, %dma_start3A_25] : memref<102400x128xf32, #tpu.memory_space<hbm>> -> memref<128x128xf32, #tpu.memory_space<hbm>>
      tpu.enqueue_dma source(%arg6 : memref<128x128xf32, #tpu.memory_space<vmem>>) target(%dma_start3A_26 : memref<128x128xf32, #tpu.memory_space<hbm>>) target_semaphore(%run_scoped3A_22 : memref<!tpu.dma_semaphore, #tpu.memory_space<semaphore_mem>>)
      %dma_wait3A_27 = arith.constant 0 : i32
      %dma_wait3A_28 = tpu.memref_slice %arg4[%add3A_21, %dma_wait3A_27] : memref<102400x128xf32, #tpu.memory_space<hbm>> -> memref<128x128xf32, #tpu.memory_space<hbm>>
      %dma_wait3A_29 = arith.constant 0 : i32
      %dma_wait3A_30 = tpu.memref_slice %arg4[%add3A_21, %dma_wait3A_29] : memref<102400x128xf32, #tpu.memory_space<hbm>> -> memref<128x128xf32, #tpu.memory_space<hbm>>
      tpu.wait_dma2 semaphore(%run_scoped3A_22 : memref<!tpu.dma_semaphore, #tpu.memory_space<semaphore_mem>>) src(%arg6 : memref<128x128xf32, #tpu.memory_space<vmem>>) dst(%dma_wait3A_30 : memref<128x128xf32, #tpu.memory_space<hbm>>)
      tpu.yield
    }) : () -> ()
    return
  }
}

module attributes {stable_mosaic.version = 14 : i64} {
  func.func @body(%arg0: i32, %arg1: memref<128x50x128xf32, #tpu.memory_space<vmem>>, %arg2: memref<128x50x128xf32, #tpu.memory_space<vmem>>, %arg3: memref<128x50xi32, #tpu.memory_space<vmem>>, %arg4: memref<1x128xf32, #tpu.memory_space<vmem>>, %arg5: memref<1x128xf32, #tpu.memory_space<vmem>>) attributes {dimension_semantics = [#tpu.dimension_semantics<arbitrary>], iteration_bounds = array<i64: 16>, scalar_prefetch = 0 : i64, scratch_operands = 0 : i64, tpu.core_type = #tpu.core_type<tc>, window_params = [{transform_indices = @transform_0, window_bounds = array<i64: 128, 50, 128>}, {transform_indices = @transform_1, window_bounds = array<i64: 128, 50, 128>}, {transform_indices = @transform_2, window_bounds = array<i64: 128, 50>}, {pipeline_mode = #tpu.pipeline_mode<synchronous>, transform_indices = @transform_3, window_bounds = array<i64: 1, 128>}, {pipeline_mode = #tpu.pipeline_mode<synchronous>, transform_indices = @transform_4, window_bounds = array<i64: 1, 128>}]} {
    %get3A = arith.constant 0 : index
    %get3A_0 = arith.constant 0 : index
    %get3A_1 = arith.constant 0 : index
    %get3A_2 = vector.load %arg1[%get3A, %get3A_0, %get3A_1] : memref<128x50x128xf32, #tpu.memory_space<vmem>>, vector<128x50x128xf32>
    %get3A_3 = arith.constant 0 : index
    %get3A_4 = arith.constant 0 : index
    %get3A_5 = arith.constant 0 : index
    %get3A_6 = vector.load %arg2[%get3A_3, %get3A_4, %get3A_5] : memref<128x50x128xf32, #tpu.memory_space<vmem>>, vector<128x50x128xf32>
    %get3A_7 = arith.constant 0 : index
    %get3A_8 = arith.constant 0 : index
    %get3A_9 = vector.load %arg3[%get3A_7, %get3A_8] : memref<128x50xi32, #tpu.memory_space<vmem>>, vector<128x50xi32>
    %ne3A = arith.constant 0 : i32
    %ne3A_10 = vector.broadcast %ne3A : i32 to vector<128x50xi32>
    %ne3A_11 = arith.cmpi ne, %get3A_9, %ne3A_10 : vector<128x50xi32>
    %convert_element_type3A = arith.extui %ne3A_11 : vector<128x50xi1> to vector<128x50xi32>
    %convert_element_type3A_12 = arith.sitofp %convert_element_type3A : vector<128x50xi32> to vector<128x50xf32>
    %mul3A = arith.mulf %get3A_2, %get3A_2 : vector<128x50x128xf32>
    %reduce_sum3A = arith.constant dense<0.000000e+00> : vector<128x50xf32>
    %reduce_sum3A_13 = vector.multi_reduction <add>, %mul3A, %reduce_sum3A [2] : vector<128x50x128xf32> to vector<128x50xf32>
    %sqrt3A = math.sqrt %reduce_sum3A_13 : vector<128x50xf32>
    %add3A = arith.constant 1.280000e+02 : f32
    %add3A_14 = arith.constant 1.000000e+00 : f32
    %add3A_15 = arith.addf %add3A, %add3A_14 : f32
    %integer_pow3A = arith.mulf %add3A_15, %add3A_15 : f32
    %add3A_16 = vector.broadcast %integer_pow3A : f32 to vector<128x50xf32>
    %add3A_17 = arith.addf %add3A_16, %reduce_sum3A_13 : vector<128x50xf32>
    %sqrt3A_18 = math.sqrt %add3A_17 : vector<128x50xf32>
    %sub3A = arith.constant 1.280000e+02 : f32
    %sub3A_19 = arith.constant 1.000000e+00 : f32
    %sub3A_20 = arith.subf %sub3A, %sub3A_19 : f32
    %sub3A_21 = arith.constant 1.280000e+02 : f32
    %sub3A_22 = arith.constant 1.000000e+00 : f32
    %sub3A_23 = arith.subf %sub3A_21, %sub3A_22 : f32
    %add3A_24 = vector.broadcast %sub3A_23 : f32 to vector<128x50xf32>
    %add3A_25 = arith.addf %add3A_24, %sqrt3A_18 : vector<128x50xf32>
    %log3A = math.log %add3A_25 : vector<128x50xf32>
    %mul3A_26 = vector.broadcast %sub3A_20 : f32 to vector<128x50xf32>
    %mul3A_27 = arith.mulf %mul3A_26, %log3A : vector<128x50xf32>
    %sub3A_28 = arith.subf %sqrt3A_18, %mul3A_27 : vector<128x50xf32>
    %neg3A = arith.constant 0.000000e+00 : f32
    %neg3A_29 = vector.broadcast %neg3A : f32 to vector<128x50xf32>
    %neg3A_30 = arith.subf %neg3A_29, %sub3A_28 : vector<128x50xf32>
    %mul3A_31 = arith.constant 0.00999999977 : f32
    %mul3A_32 = vector.broadcast %mul3A_31 : f32 to vector<128x50xf32>
    %mul3A_33 = arith.mulf %mul3A_32, %sqrt3A : vector<128x50xf32>
    %add3A_34 = arith.addf %neg3A_30, %mul3A_33 : vector<128x50xf32>
    %broadcast_in_dim3A = vector.shape_cast %convert_element_type3A_12 : vector<128x50xf32> to vector<128x50x1xf32>
    %mul3A_35 = vector.broadcast %broadcast_in_dim3A : vector<128x50x1xf32> to vector<128x50x128xf32>
    %mul3A_36 = arith.mulf %get3A_6, %mul3A_35 : vector<128x50x128xf32>
    %mul3A_37 = arith.mulf %add3A_34, %convert_element_type3A_12 : vector<128x50xf32>
    %reduce_sum3A_38 = vector.shape_cast %mul3A_37 : vector<128x50xf32> to vector<1x128x50xf32>
    %reduce_sum3A_39 = arith.constant dense<0.000000e+00> : vector<1xf32>
    %reduce_sum3A_40 = vector.multi_reduction <add>, %reduce_sum3A_38, %reduce_sum3A_39 [1, 2] : vector<1x128x50xf32> to vector<1xf32>
    %reduce_sum3A_41 = vector.shape_cast %reduce_sum3A_40 : vector<1xf32> to vector<1x1x1xf32>
    %reduce_sum3A_42 = vector.extract %reduce_sum3A_41[0, 0, 0] : f32 from vector<1x1x1xf32>
    %mul3A_43 = arith.mulf %get3A_2, %mul3A_36 : vector<128x50x128xf32>
    %reduce_sum3A_44 = vector.shape_cast %mul3A_43 : vector<128x50x128xf32> to vector<1x128x50x128xf32>
    %reduce_sum3A_45 = arith.constant dense<0.000000e+00> : vector<1xf32>
    %reduce_sum3A_46 = vector.multi_reduction <add>, %reduce_sum3A_44, %reduce_sum3A_45 [1, 2, 3] : vector<1x128x50x128xf32> to vector<1xf32>
    %reduce_sum3A_47 = vector.shape_cast %reduce_sum3A_46 : vector<1xf32> to vector<1x1x1x1xf32>
    %reduce_sum3A_48 = vector.extract %reduce_sum3A_47[0, 0, 0, 0] : f32 from vector<1x1x1x1xf32>
    %mul3A_49 = arith.constant 1.000000e-01 : f32
    %mul3A_50 = arith.mulf %mul3A_49, %reduce_sum3A_48 : f32
    %sub3A_51 = arith.subf %reduce_sum3A_42, %mul3A_50 : f32
    %reduce_sum3A_52 = vector.shape_cast %convert_element_type3A_12 : vector<128x50xf32> to vector<1x128x50xf32>
    %reduce_sum3A_53 = arith.constant dense<0.000000e+00> : vector<1xf32>
    %reduce_sum3A_54 = vector.multi_reduction <add>, %reduce_sum3A_52, %reduce_sum3A_53 [1, 2] : vector<1x128x50xf32> to vector<1xf32>
    %reduce_sum3A_55 = vector.shape_cast %reduce_sum3A_54 : vector<1xf32> to vector<1x1x1xf32>
    %reduce_sum3A_56 = vector.extract %reduce_sum3A_55[0, 0, 0] : f32 from vector<1x1x1xf32>
    %iota3A = tpu.iota {dimensions = array<i32: 1>} : vector<1x128xi32>
    %eq3A = arith.constant 0 : i32
    %eq3A_57 = vector.broadcast %eq3A : i32 to vector<1x128xi32>
    %eq3A_58 = arith.cmpi eq, %iota3A, %eq3A_57 : vector<1x128xi32>
    %jit3A = arith.constant 0.000000e+00 : f32
    %broadcast_in_dim3A_59 = vector.broadcast %sub3A_51 : f32 to vector<1x128xf32>
    %broadcast_in_dim3A_60 = vector.broadcast %jit3A : f32 to vector<1x128xf32>
    %select_n3A = arith.select %eq3A_58, %broadcast_in_dim3A_59, %broadcast_in_dim3A_60 : vector<1x128xi1>, vector<1x128xf32>
    %eq3A_61 = arith.constant 1 : i32
    %eq3A_62 = vector.broadcast %eq3A_61 : i32 to vector<1x128xi32>
    %eq3A_63 = arith.cmpi eq, %iota3A, %eq3A_62 : vector<1x128xi32>
    %jit3A_64 = arith.constant 0.000000e+00 : f32
    %broadcast_in_dim3A_65 = vector.broadcast %reduce_sum3A_56 : f32 to vector<1x128xf32>
    %broadcast_in_dim3A_66 = vector.broadcast %jit3A_64 : f32 to vector<1x128xf32>
    %select_n3A_67 = arith.select %eq3A_63, %broadcast_in_dim3A_65, %broadcast_in_dim3A_66 : vector<1x128xi1>, vector<1x128xf32>
    %add3A_68 = arith.addf %select_n3A, %select_n3A_67 : vector<1x128xf32>
    %eq3A_69 = arith.constant 0 : i32
    %eq3A_70 = arith.cmpi eq, %arg0, %eq3A_69 : i32
    %convert_element_type3A_71 = arith.extui %eq3A_70 : i1 to i32
    %cond3A = arith.constant 0 : i32
    %cond3A_72 = arith.cmpi ne, %convert_element_type3A_71, %cond3A : i32
    scf.if %cond3A_72 {
      %get3A_79 = arith.constant 0 : index
      %get3A_80 = arith.constant 0 : index
      %get3A_81 = vector.load %arg4[%get3A_79, %get3A_80] : memref<1x128xf32, #tpu.memory_space<vmem>>, vector<1x128xf32>
      %swap3A_82 = arith.constant 0 : index
      %swap3A_83 = arith.constant 0 : index
      %swap3A_84 = vector.load %arg5[%swap3A_82, %swap3A_83] : memref<1x128xf32, #tpu.memory_space<vmem>>, vector<1x128xf32>
      tpu.vector_store %arg5[%swap3A_82, %swap3A_83], %get3A_81 {strides = array<i32>} : memref<1x128xf32, #tpu.memory_space<vmem>>, vector<1x128xf32>,
    } else {
    }
    %get3A_73 = arith.constant 0 : index
    %get3A_74 = arith.constant 0 : index
    %get3A_75 = vector.load %arg5[%get3A_73, %get3A_74] : memref<1x128xf32, #tpu.memory_space<vmem>>, vector<1x128xf32>
    %add3A_76 = arith.addf %get3A_75, %add3A_68 : vector<1x128xf32>
    %swap3A = arith.constant 0 : index
    %swap3A_77 = arith.constant 0 : index
    %swap3A_78 = vector.load %arg5[%swap3A, %swap3A_77] : memref<1x128xf32, #tpu.memory_space<vmem>>, vector<1x128xf32>
    tpu.vector_store %arg5[%swap3A, %swap3A_77], %add3A_76 {strides = array<i32>} : memref<1x128xf32, #tpu.memory_space<vmem>>, vector<1x128xf32>,
    return
  }
  func.func @transform_0(%arg0: i32) -> (i32, i32, i32) {
    %add3A = arith.constant 0 : i32
    %add3A_0 = arith.addi %add3A, %arg0 : i32
    %c0_i32 = arith.constant 0 : i32
    %c0_i32_1 = arith.constant 0 : i32
    %c0_i32_2 = arith.constant 0 : i32
    return %add3A_0, %c0_i32, %c0_i32_1 : i32, i32, i32
  }
  func.func @transform_1(%arg0: i32) -> (i32, i32, i32) {
    %c0_i32 = arith.constant 0 : i32
    %c0_i32_0 = arith.constant 0 : i32
    %c0_i32_1 = arith.constant 0 : i32
    return %arg0, %c0_i32, %c0_i32_0 : i32, i32, i32
  }
  func.func @transform_2(%arg0: i32) -> (i32, i32) {
    %add3A = arith.constant 0 : i32
    %add3A_0 = arith.addi %add3A, %arg0 : i32
    %c0_i32 = arith.constant 0 : i32
    %c0_i32_1 = arith.constant 0 : i32
    return %add3A_0, %c0_i32 : i32, i32
  }
  func.func @transform_3(%arg0: i32) -> (i32, i32) {
    %c0_i32 = arith.constant 0 : i32
    %c0_i32_0 = arith.constant 0 : i32
    %c0_i32_1 = arith.constant 0 : i32
    return %c0_i32, %c0_i32_0 : i32, i32
  }
  func.func @transform_4(%arg0: i32) -> (i32, i32) {
    %c0_i32 = arith.constant 0 : i32
    %c0_i32_0 = arith.constant 0 : i32
    %c0_i32_1 = arith.constant 0 : i32
    return %c0_i32, %c0_i32_0 : i32, i32
  }
}

module attributes {stable_mosaic.version = 14 : i64} {
  func.func @body(%arg0: i32, %arg1: memref<128x50x128xf32, #tpu.memory_space<vmem>>, %arg2: memref<128x50x128xf32, #tpu.memory_space<vmem>>, %arg3: memref<128x50xi32, #tpu.memory_space<vmem>>, %arg4: memref<1x128xf32, #tpu.memory_space<vmem>>, %arg5: memref<1x128xf32, #tpu.memory_space<vmem>>) attributes {dimension_semantics = [#tpu.dimension_semantics<arbitrary>], iteration_bounds = array<i64: 16>, scalar_prefetch = 0 : i64, scratch_operands = 0 : i64, tpu.core_type = #tpu.core_type<tc>, window_params = [{transform_indices = @transform_0, window_bounds = array<i64: 128, 50, 128>}, {transform_indices = @transform_1, window_bounds = array<i64: 128, 50, 128>}, {transform_indices = @transform_2, window_bounds = array<i64: 128, 50>}, {pipeline_mode = #tpu.pipeline_mode<synchronous>, transform_indices = @transform_3, window_bounds = array<i64: 1, 128>}, {pipeline_mode = #tpu.pipeline_mode<synchronous>, transform_indices = @transform_4, window_bounds = array<i64: 1, 128>}]} {
    %get3A = arith.constant 0 : index
    %get3A_0 = arith.constant 0 : index
    %get3A_1 = arith.constant 0 : index
    %get3A_2 = vector.load %arg1[%get3A, %get3A_0, %get3A_1] : memref<128x50x128xf32, #tpu.memory_space<vmem>>, vector<128x50x128xf32>
    %get3A_3 = arith.constant 0 : index
    %get3A_4 = arith.constant 0 : index
    %get3A_5 = arith.constant 0 : index
    %get3A_6 = vector.load %arg2[%get3A_3, %get3A_4, %get3A_5] : memref<128x50x128xf32, #tpu.memory_space<vmem>>, vector<128x50x128xf32>
    %get3A_7 = arith.constant 0 : index
    %get3A_8 = arith.constant 0 : index
    %get3A_9 = vector.load %arg3[%get3A_7, %get3A_8] : memref<128x50xi32, #tpu.memory_space<vmem>>, vector<128x50xi32>
    %ne3A = arith.constant 0 : i32
    %ne3A_10 = vector.broadcast %ne3A : i32 to vector<128x50xi32>
    %ne3A_11 = arith.cmpi ne, %get3A_9, %ne3A_10 : vector<128x50xi32>
    %convert_element_type3A = arith.extui %ne3A_11 : vector<128x50xi1> to vector<128x50xi32>
    %convert_element_type3A_12 = arith.sitofp %convert_element_type3A : vector<128x50xi32> to vector<128x50xf32>
    %mul3A = arith.mulf %get3A_2, %get3A_2 : vector<128x50x128xf32>
    %reduce_sum3A = arith.constant dense<0.000000e+00> : vector<128x50xf32>
    %reduce_sum3A_13 = vector.multi_reduction <add>, %mul3A, %reduce_sum3A [2] : vector<128x50x128xf32> to vector<128x50xf32>
    %sqrt3A = math.sqrt %reduce_sum3A_13 : vector<128x50xf32>
    %add3A = arith.constant 1.280000e+02 : f32
    %add3A_14 = arith.constant 1.000000e+00 : f32
    %add3A_15 = arith.addf %add3A, %add3A_14 : f32
    %integer_pow3A = arith.mulf %add3A_15, %add3A_15 : f32
    %add3A_16 = vector.broadcast %integer_pow3A : f32 to vector<128x50xf32>
    %add3A_17 = arith.addf %add3A_16, %reduce_sum3A_13 : vector<128x50xf32>
    %sqrt3A_18 = math.sqrt %add3A_17 : vector<128x50xf32>
    %sub3A = arith.constant 1.280000e+02 : f32
    %sub3A_19 = arith.constant 1.000000e+00 : f32
    %sub3A_20 = arith.subf %sub3A, %sub3A_19 : f32
    %sub3A_21 = arith.constant 1.280000e+02 : f32
    %sub3A_22 = arith.constant 1.000000e+00 : f32
    %sub3A_23 = arith.subf %sub3A_21, %sub3A_22 : f32
    %add3A_24 = vector.broadcast %sub3A_23 : f32 to vector<128x50xf32>
    %add3A_25 = arith.addf %add3A_24, %sqrt3A_18 : vector<128x50xf32>
    %log3A = math.log %add3A_25 : vector<128x50xf32>
    %mul3A_26 = vector.broadcast %sub3A_20 : f32 to vector<128x50xf32>
    %mul3A_27 = arith.mulf %mul3A_26, %log3A : vector<128x50xf32>
    %sub3A_28 = arith.subf %sqrt3A_18, %mul3A_27 : vector<128x50xf32>
    %neg3A = arith.constant 0.000000e+00 : f32
    %neg3A_29 = vector.broadcast %neg3A : f32 to vector<128x50xf32>
    %neg3A_30 = arith.subf %neg3A_29, %sub3A_28 : vector<128x50xf32>
    %mul3A_31 = arith.constant 0.00999999977 : f32
    %mul3A_32 = vector.broadcast %mul3A_31 : f32 to vector<128x50xf32>
    %mul3A_33 = arith.mulf %mul3A_32, %sqrt3A : vector<128x50xf32>
    %add3A_34 = arith.addf %neg3A_30, %mul3A_33 : vector<128x50xf32>
    %broadcast_in_dim3A = vector.shape_cast %convert_element_type3A_12 : vector<128x50xf32> to vector<128x50x1xf32>
    %mul3A_35 = vector.broadcast %broadcast_in_dim3A : vector<128x50x1xf32> to vector<128x50x128xf32>
    %mul3A_36 = arith.mulf %get3A_6, %mul3A_35 : vector<128x50x128xf32>
    %mul3A_37 = arith.mulf %add3A_34, %convert_element_type3A_12 : vector<128x50xf32>
    %reduce_sum3A_38 = vector.shape_cast %mul3A_37 : vector<128x50xf32> to vector<1x128x50xf32>
    %reduce_sum3A_39 = arith.constant dense<0.000000e+00> : vector<1xf32>
    %reduce_sum3A_40 = vector.multi_reduction <add>, %reduce_sum3A_38, %reduce_sum3A_39 [1, 2] : vector<1x128x50xf32> to vector<1xf32>
    %reduce_sum3A_41 = vector.shape_cast %reduce_sum3A_40 : vector<1xf32> to vector<1x1x1xf32>
    %reduce_sum3A_42 = vector.extract %reduce_sum3A_41[0, 0, 0] : f32 from vector<1x1x1xf32>
    %mul3A_43 = arith.mulf %get3A_2, %mul3A_36 : vector<128x50x128xf32>
    %reduce_sum3A_44 = vector.shape_cast %mul3A_43 : vector<128x50x128xf32> to vector<1x128x50x128xf32>
    %reduce_sum3A_45 = arith.constant dense<0.000000e+00> : vector<1xf32>
    %reduce_sum3A_46 = vector.multi_reduction <add>, %reduce_sum3A_44, %reduce_sum3A_45 [1, 2, 3] : vector<1x128x50x128xf32> to vector<1xf32>
    %reduce_sum3A_47 = vector.shape_cast %reduce_sum3A_46 : vector<1xf32> to vector<1x1x1x1xf32>
    %reduce_sum3A_48 = vector.extract %reduce_sum3A_47[0, 0, 0, 0] : f32 from vector<1x1x1x1xf32>
    %mul3A_49 = arith.constant 1.000000e-01 : f32
    %mul3A_50 = arith.mulf %mul3A_49, %reduce_sum3A_48 : f32
    %sub3A_51 = arith.subf %reduce_sum3A_42, %mul3A_50 : f32
    %reduce_sum3A_52 = vector.shape_cast %convert_element_type3A_12 : vector<128x50xf32> to vector<1x128x50xf32>
    %reduce_sum3A_53 = arith.constant dense<0.000000e+00> : vector<1xf32>
    %reduce_sum3A_54 = vector.multi_reduction <add>, %reduce_sum3A_52, %reduce_sum3A_53 [1, 2] : vector<1x128x50xf32> to vector<1xf32>
    %reduce_sum3A_55 = vector.shape_cast %reduce_sum3A_54 : vector<1xf32> to vector<1x1x1xf32>
    %reduce_sum3A_56 = vector.extract %reduce_sum3A_55[0, 0, 0] : f32 from vector<1x1x1xf32>
    %iota3A = tpu.iota {dimensions = array<i32: 1>} : vector<1x128xi32>
    %eq3A = arith.constant 0 : i32
    %eq3A_57 = vector.broadcast %eq3A : i32 to vector<1x128xi32>
    %eq3A_58 = arith.cmpi eq, %iota3A, %eq3A_57 : vector<1x128xi32>
    %jit3A = arith.constant 0.000000e+00 : f32
    %broadcast_in_dim3A_59 = vector.broadcast %sub3A_51 : f32 to vector<1x128xf32>
    %broadcast_in_dim3A_60 = vector.broadcast %jit3A : f32 to vector<1x128xf32>
    %select_n3A = arith.select %eq3A_58, %broadcast_in_dim3A_59, %broadcast_in_dim3A_60 : vector<1x128xi1>, vector<1x128xf32>
    %eq3A_61 = arith.constant 1 : i32
    %eq3A_62 = vector.broadcast %eq3A_61 : i32 to vector<1x128xi32>
    %eq3A_63 = arith.cmpi eq, %iota3A, %eq3A_62 : vector<1x128xi32>
    %jit3A_64 = arith.constant 0.000000e+00 : f32
    %broadcast_in_dim3A_65 = vector.broadcast %reduce_sum3A_56 : f32 to vector<1x128xf32>
    %broadcast_in_dim3A_66 = vector.broadcast %jit3A_64 : f32 to vector<1x128xf32>
    %select_n3A_67 = arith.select %eq3A_63, %broadcast_in_dim3A_65, %broadcast_in_dim3A_66 : vector<1x128xi1>, vector<1x128xf32>
    %add3A_68 = arith.addf %select_n3A, %select_n3A_67 : vector<1x128xf32>
    %eq3A_69 = arith.constant 0 : i32
    %eq3A_70 = arith.cmpi eq, %arg0, %eq3A_69 : i32
    %convert_element_type3A_71 = arith.extui %eq3A_70 : i1 to i32
    %cond3A = arith.constant 0 : i32
    %cond3A_72 = arith.cmpi ne, %convert_element_type3A_71, %cond3A : i32
    scf.if %cond3A_72 {
      %get3A_84 = arith.constant 0 : index
      %get3A_85 = arith.constant 0 : index
      %get3A_86 = vector.load %arg4[%get3A_84, %get3A_85] : memref<1x128xf32, #tpu.memory_space<vmem>>, vector<1x128xf32>
      %swap3A_87 = arith.constant 0 : index
      %swap3A_88 = arith.constant 0 : index
      %swap3A_89 = vector.load %arg5[%swap3A_87, %swap3A_88] : memref<1x128xf32, #tpu.memory_space<vmem>>, vector<1x128xf32>
      tpu.vector_store %arg5[%swap3A_87, %swap3A_88], %get3A_86 {strides = array<i32>} : memref<1x128xf32, #tpu.memory_space<vmem>>, vector<1x128xf32>,
    } else {
    }
    %get3A_73 = arith.constant 0 : index
    %get3A_74 = arith.constant 0 : index
    %get3A_75 = vector.load %arg5[%get3A_73, %get3A_74] : memref<1x128xf32, #tpu.memory_space<vmem>>, vector<1x128xf32>
    %add3A_76 = arith.addf %get3A_75, %add3A_68 : vector<1x128xf32>
    %swap3A = arith.constant 0 : index
    %swap3A_77 = arith.constant 0 : index
    %swap3A_78 = vector.load %arg5[%swap3A, %swap3A_77] : memref<1x128xf32, #tpu.memory_space<vmem>>, vector<1x128xf32>
    tpu.vector_store %arg5[%swap3A, %swap3A_77], %add3A_76 {strides = array<i32>} : memref<1x128xf32, #tpu.memory_space<vmem>>, vector<1x128xf32>,
    %eq3A_79 = arith.constant 15 : i32
    %eq3A_80 = arith.cmpi eq, %arg0, %eq3A_79 : i32
    %convert_element_type3A_81 = arith.extui %eq3A_80 : i1 to i32
    %cond3A_82 = arith.constant 0 : i32
    %cond3A_83 = arith.cmpi ne, %convert_element_type3A_81, %cond3A_82 : i32
    scf.if %cond3A_83 {
      %eq3A_84 = arith.constant 0 : i32
      %eq3A_85 = vector.broadcast %eq3A_84 : i32 to vector<1x128xi32>
      %eq3A_86 = arith.cmpi eq, %iota3A, %eq3A_85 : vector<1x128xi32>
      %jit3A_87 = arith.constant 0.000000e+00 : f32
      %broadcast_in_dim3A_88 = vector.broadcast %jit3A_87 : f32 to vector<1x128xf32>
      %select_n3A_89 = arith.select %eq3A_86, %add3A_76, %broadcast_in_dim3A_88 : vector<1x128xi1>, vector<1x128xf32>
      %reduce_sum3A_90 = vector.shape_cast %select_n3A_89 : vector<1x128xf32> to vector<1x1x128xf32>
      %reduce_sum3A_91 = arith.constant dense<0.000000e+00> : vector<1xf32>
      %reduce_sum3A_92 = vector.multi_reduction <add>, %reduce_sum3A_90, %reduce_sum3A_91 [1, 2] : vector<1x1x128xf32> to vector<1xf32>
      %reduce_sum3A_93 = vector.shape_cast %reduce_sum3A_92 : vector<1xf32> to vector<1x1x1xf32>
      %reduce_sum3A_94 = vector.extract %reduce_sum3A_93[0, 0, 0] : f32 from vector<1x1x1xf32>
      %eq3A_95 = arith.constant 1 : i32
      %eq3A_96 = vector.broadcast %eq3A_95 : i32 to vector<1x128xi32>
      %eq3A_97 = arith.cmpi eq, %iota3A, %eq3A_96 : vector<1x128xi32>
      %jit3A_98 = arith.constant 0.000000e+00 : f32
      %broadcast_in_dim3A_99 = vector.broadcast %jit3A_98 : f32 to vector<1x128xf32>
      %select_n3A_100 = arith.select %eq3A_97, %add3A_76, %broadcast_in_dim3A_99 : vector<1x128xi1>, vector<1x128xf32>
      %reduce_sum3A_101 = vector.shape_cast %select_n3A_100 : vector<1x128xf32> to vector<1x1x128xf32>
      %reduce_sum3A_102 = arith.constant dense<0.000000e+00> : vector<1xf32>
      %reduce_sum3A_103 = vector.multi_reduction <add>, %reduce_sum3A_101, %reduce_sum3A_102 [1, 2] : vector<1x1x128xf32> to vector<1xf32>
      %reduce_sum3A_104 = vector.shape_cast %reduce_sum3A_103 : vector<1xf32> to vector<1x1x1xf32>
      %reduce_sum3A_105 = vector.extract %reduce_sum3A_104[0, 0, 0] : f32 from vector<1x1x1xf32>
      %div3A = arith.divf %reduce_sum3A_94, %reduce_sum3A_105 : f32
      %broadcast_in_dim3A_106 = vector.broadcast %div3A : f32 to vector<1x128xf32>
      %swap3A_107 = arith.constant 0 : index
      %swap3A_108 = arith.constant 0 : index
      %swap3A_109 = vector.load %arg5[%swap3A_107, %swap3A_108] : memref<1x128xf32, #tpu.memory_space<vmem>>, vector<1x128xf32>
      tpu.vector_store %arg5[%swap3A_107, %swap3A_108], %broadcast_in_dim3A_106 {strides = array<i32>} : memref<1x128xf32, #tpu.memory_space<vmem>>, vector<1x128xf32>,
    } else {
    }
    return
  }
  func.func @transform_0(%arg0: i32) -> (i32, i32, i32) {
    %add3A = arith.constant 16 : i32
    %add3A_0 = arith.addi %add3A, %arg0 : i32
    %c0_i32 = arith.constant 0 : i32
    %c0_i32_1 = arith.constant 0 : i32
    %c0_i32_2 = arith.constant 0 : i32
    return %add3A_0, %c0_i32, %c0_i32_1 : i32, i32, i32
  }
  func.func @transform_1(%arg0: i32) -> (i32, i32, i32) {
    %c0_i32 = arith.constant 0 : i32
    %c0_i32_0 = arith.constant 0 : i32
    %c0_i32_1 = arith.constant 0 : i32
    return %arg0, %c0_i32, %c0_i32_0 : i32, i32, i32
  }
  func.func @transform_2(%arg0: i32) -> (i32, i32) {
    %add3A = arith.constant 16 : i32
    %add3A_0 = arith.addi %add3A, %arg0 : i32
    %c0_i32 = arith.constant 0 : i32
    %c0_i32_1 = arith.constant 0 : i32
    return %add3A_0, %c0_i32 : i32, i32
  }
  func.func @transform_3(%arg0: i32) -> (i32, i32) {
    %c0_i32 = arith.constant 0 : i32
    %c0_i32_0 = arith.constant 0 : i32
    %c0_i32_1 = arith.constant 0 : i32
    return %c0_i32, %c0_i32_0 : i32, i32
  }
  func.func @transform_4(%arg0: i32) -> (i32, i32) {
    %c0_i32 = arith.constant 0 : i32
    %c0_i32_0 = arith.constant 0 : i32
    %c0_i32_1 = arith.constant 0 : i32
    return %c0_i32, %c0_i32_0 : i32, i32
  }
}

</mosaic_0001>

<sc_bundles>
// kernel: kernel.6.cloned.1.call-start
scs
__scs_entry_jumppad:
0x0: {  	(pc) =	sbr.rel $0x88, $3  }
0x1: {  	(tag) =	ssettag $0x0;
	lr =	simm.s32 $0x1  }
0x2: {  	[smem:$0x3F9E] =	sst lr;
	_ =	strace $0xD0000000  }
0x3: {  	_ = 	snop  }
0x4: {  	_ = 	snop  }
0x5: {  	_ = 	snop  }
0x6: {  	_ = 	snop  }
0x7: {  	_ = 	snop  }
__scs_overlays_trampoline_lowered:
0x8: {  	[smem:$0x3FAD] =	sst s0  }
0x9: {  	[smem:$0x3FAE] =	sst s1  }
0xa: {  	[smem:$0x3FAF] =	sst s2  }
0xb: {  	[smem:$0x3FB0] =	sst s3  }
0xc: {  	[smem:$0x3FB1] =	sst s4  }
0xd: {  	[smem:$0x3FB2] =	sst s5  }
0xe: {  	[smem:$0x3FB3] =	sst s6  }
0xf: {  	[smem:$0x3FB4] =	sst s7  }
0x10: {  	[smem:$0x3FB5] =	sst s8  }
0x11: {  	[smem:$0x3FB6] =	sst s9;
	s0 =	simm.s32 @!p0 $0x0  }
0x12: {  	s1 =	sld [smem:$0x3F9C];
	s0 =	simm.s32 @p0 $0x1  }
0x13: {  	[smem:$0x3FB7] =	sst s0;
	s0 =	simm.s32 @!p1 $0x0  }
0x14: {  	s2 =	sld [smem:$0x3F9B];
	s0 =	simm.s32 @p1 $0x1  }
0x15: {  	[smem:$0x3FB8] =	sst s0;
	s0 =	simm.s32 @!p2 $0x0  }
0x16: {  	s3 =	sld [smem:$0x3FDB];
	s0 =	simm.s32 @p2 $0x1  }
0x17: {  	s4 =	simm.s32 $0x1BF5;
	[smem:$0x3FBA] =	sst s0  }
0x18: {  	s0 =	sld [smem:$0x3F9D];
	_ =	swait.ge [sflag:s4], $0x0  }
0x19: {  	s7 =	sld [smem:$0x3F9E]  }
0x1a: {  	s8 =	sadd.s32 $0xFFFFE003, lr  }
0x1b: {  	s9 =	sadd.s32 $0xFFFFFEF7, lr;
	s5 =	simm.s32 $0xFFFFFFFF;
	p2 =	slt.u32 s8, $0xFFFFF086  }
0x1c: {  	p1 =	slt.u32 s9, $0xF7A;
	s5 =	simm.s32 @!p2 $0x0  }
0x1d: {  	s5 =	simm.s32 @p1 $0x1;
	p0 =	seq.s32 s7, s2  }
0x1e: {  	s7 =	smul.u32 @!p0 $0xF7A, s2;
	p2 =	seq.s32 @!p0 s5, $0x0  }
0x1f: {  	s9 =	smul.u32 $0xF7A, s1;
	s8 =	simm.s32 @!p0 $0x1BF5;
	p2 =	por !p2, p0  }
0x20: {  	[sflag:s8] =	ssyncset.s32 @!p0 $0xFFFFF086;
	s6 =	sadd.s32 @!p0 s3, s7;
	s7 =	simm.s32 @!p0 $0x108  }
0x21: {  	s3 =	sadd.s32 s3, s9;
	s6 =	sadd.s32 @!p0 $0x88, s6;
	s7 =	simm.s32 @p2 $0x1082  }
0x22: {  	[simem:s7], [sflag:s8] =	dma.local @!p0 [hbm:s6], $0xF7A  }
0x23: {  	s9 =	sor.u32 $0xD0000000, s2;
	s6 =	simm.s32 $0x108;
	_ =	swait.ge @!p0 [sflag:s8], $0x0  }
0x24: {  	s3 =	sadd.s32 $0x88, s3;
	s6 =	simm.s32 @!p1 $0x1082;
	[sflag:s4] =	ssyncset.s32 $0xFFFFF086  }
0x25: {  	[simem:s6], [sflag:s4] =	dma.local [hbm:s3], $0xF7A  }
0x26: {  	[smem:$0x3F9E] =	sst s1;
	(tag) =	ssettag s2;
	_ =	strace s9  }
0x27: {  	s1 =	sld [smem:$0x3FAE]  }
0x28: {  	s2 =	sld [smem:$0x3FAF]  }
0x29: {  	s4 =	sld [smem:$0x3FB1]  }
0x2a: {  	p0 =	seq.s32 s5, $0x0;
	s5 =	sld [smem:$0x3FB2]  }
0x2b: {  	s6 =	sld [smem:$0x3FB3]  }
0x2c: {  	s7 =	sld [smem:$0x3FB4]  }
0x2d: {  	s3 =	simm.s32 $0x108;
	s8 =	sld [smem:$0x3FB5]  }
0x2e: {  	s3 =	simm.s32 @!p0 $0x1082;
	s9 =	sld [smem:$0x3FB6]  }
0x2f: {  	lr =	sadd.s32 s0, s3;
	s0 =	sld [smem:$0x3FAD]  }
0x30: {  	s3 =	sld [smem:$0x3FB0]  }
0x31: {  	[smem:$0x3FB9] =	sst s10  }
0x32: {  	s10 =	sld [smem:$0x3FB7];
	_ =	sdelay $0x3  }
0x33: {  	p0 =	seq.s32 s10, $0x1;
	s10 =	sld [smem:$0x3FB9];
	_ =	sdelay $0x3  }
0x34: {  	[smem:$0x3FB9] =	sst s10  }
0x35: {  	s10 =	sld [smem:$0x3FB8];
	_ =	sdelay $0x3  }
0x36: {  	p1 =	seq.s32 s10, $0x1;
	s10 =	sld [smem:$0x3FB9];
	_ =	sdelay $0x3  }
0x37: {  	[smem:$0x3FB9] =	sst s10  }
0x38: {  	s10 =	sld [smem:$0x3FBA]  }
0x39: {  	_ = 	snop;
	(pc) =	sbr.ind lr, $3  }
0x3a: {  	_ = 	snop  }
0x3b: {  	_ = 	snop  }
0x3c: {  	p2 =	seq.s32 s10, $0x1;
	s10 =	sld [smem:$0x3FB9]  }
0x3d: {  	_ =	shalt  }
0x3e: {  	_ =	shalt  }
0x3f: {  	_ =	shalt  }
0x40: {  	_ =	shalt  }
0x41: {  	_ =	shalt  }
0x42: {  	_ =	shalt  }
0x43: {  	_ =	shalt  }
0x44: {  	_ =	shalt  }
0x45: {  	_ =	shalt  }
0x46: {  	_ =	shalt  }
0x47: {  	_ =	shalt  }
0x48: {  	_ =	shalt  }
0x49: {  	_ =	shalt  }
0x4a: {  	_ =	shalt  }
0x4b: {  	_ =	shalt  }
0x4c: {  	_ =	shalt  }
0x4d: {  	_ =	shalt  }
0x4e: {  	_ =	shalt  }
0x4f: {  	_ =	shalt  }
0x50: {  	_ =	shalt  }
0x51: {  	_ =	shalt  }
0x52: {  	_ =	shalt  }
0x53: {  	_ =	shalt  }
0x54: {  	_ =	shalt  }
0x55: {  	_ =	shalt  }
0x56: {  	_ =	shalt  }
0x57: {  	_ =	shalt  }
0x58: {  	_ =	shalt  }
0x59: {  	_ =	shalt  }
0x5a: {  	_ =	shalt  }
0x5b: {  	_ =	shalt  }
0x5c: {  	_ =	shalt  }
0x5d: {  	_ =	shalt  }
0x5e: {  	_ =	shalt  }
0x5f: {  	_ =	shalt  }
0x60: {  	_ =	shalt  }
0x61: {  	_ =	shalt  }
0x62: {  	_ =	shalt  }
0x63: {  	_ =	shalt  }
0x64: {  	_ =	shalt  }
0x65: {  	_ =	shalt  }
0x66: {  	_ =	shalt  }
0x67: {  	_ =	shalt  }
0x68: {  	_ =	shalt  }
0x69: {  	_ =	shalt  }
0x6a: {  	_ =	shalt  }
0x6b: {  	_ =	shalt  }
0x6c: {  	_ =	shalt  }
0x6d: {  	_ =	shalt  }
0x6e: {  	_ =	shalt  }
0x6f: {  	_ =	shalt  }
0x70: {  	_ =	shalt  }
0x71: {  	_ =	shalt  }
0x72: {  	_ =	shalt  }
0x73: {  	_ =	shalt  }
0x74: {  	_ =	shalt  }
0x75: {  	_ =	shalt  }
0x76: {  	_ =	shalt  }
0x77: {  	_ =	shalt  }
0x78: {  	_ =	shalt  }
0x79: {  	_ =	shalt  }
0x7a: {  	_ =	shalt  }
0x7b: {  	_ =	shalt  }
0x7c: {  	_ =	shalt  }
0x7d: {  	_ =	shalt  }
0x7e: {  	_ =	shalt  }
0x7f: {  	_ =	shalt  }
0x80: {  	_ =	shalt  }
0x81: {  	_ =	shalt  }
0x82: {  	_ =	shalt  }
0x83: {  	_ =	shalt  }
0x84: {  	_ =	shalt  }
0x85: {  	_ =	shalt  }
0x86: {  	_ =	shalt  }
0x87: {  	_ =	shalt  }
.Lfunc_end0:
.L_simem_size_0:
called_computation_lowered:
.L_overlay_start_0:
0x88: {  	s2 =	sld [smem:$0x3FD9]  }
0x89: {  	s3 =	sld [smem:$0x3FFE];
	_ =	sdelay $0x1  }
0x8a: {  	s1 =	srdreg.scid  }
0x8b: {  	s0 =	sand.u32 $0x1, s1  }
0x8c: {  	s17 =	sshll.u32 s0, $0xA;
	s2 =	sadd.s32 s3, s2  }
0x8d: {  	s2 =	sadd.s32 s2, s17  }
0x8e: {  	[smem:$0x3FC5] =	sst s2  }
0x8f: {  	_ = 	snop  }
0x90: {  	s2 =	sld [smem:$0x3FC7];
	(tm) =	ssettm $0x1  }
0x91: {  	s18 =	sld [smem:$0x3FFB];
	_ =	sdelay $0x3  }
0x92: {  	_ =	strace s18  }
0x93: {  	s3 =	sld [smem:$0x3FFC];
	_ =	sdelay $0x3  }
0x94: {  	_ =	strace s3  }
0x95: {  	s3 =	sld [smem:$0x3FFD];
	_ =	sdelay $0x3  }
0x96: {  	_ =	strace s3  }
0x97: {  	_ =	strace $0x8FFFFFFF  }
0x98: {  	s19 =	sld [smem:$0x3FDB];
	_ =	sdelay $0x1  }
0x99: {  	s4 =	simm.s32 $_scs_section_size  }
0x9a: {  	s5 =	simm.s32 $_size__tile_overlayer_lowered;
	s6 =	simm.s32 $_tile_overlayer_lowered  }
0x9b: {  	s22 =	simm.s32 $0x1BFF;
	s21 =	sshll.u32 s6, $0x1;
	s3 =	sadd.s32 s4, s19  }
0x9c: {  	s7 =	simm.s32 $0x0;
	s20 =	sshll.u32 s5, $0x1;
	s5 =	sadd.s32 s21, s3  }
0x9d: {  	[timem:s7], [sflag:s22] =	dma.local [hbm:s5], s20  }
0x9e: {  	_ =	swait.ge [sflag:s22], s20  }
0x9f: {  	s4 =	ssub.s32 $0x0, s20;
	[sflag:s22] =	ssyncset.done $0x0  }
0xa0: {  	[sflag:s22] =	ssyncadd.s32 s4;
	_ =	sdelay $0x1  }
0xa1: {  	s23 =	simm.s32 $0x1B8B  }
0xa2: {  	_ =	swait.ge [sflag:s23], $0x1  }
0xa3: {  	[sflag:s23] =	ssyncset.done $0x0  }
0xa4: {  	s25 =	simm.s32 $0x1B8E;
	s24 =	sld [smem:$0x3FFE];
	[sflag:s23] =	ssyncadd.s32 $0xFFFFFFFF  }
0xa5: {  	s26 =	simm.s32 $execute0_lowered;
	[smem:$0x3FD2] =	sst s25  }
0xa6: {  	s5 =	sshll.u32 s26, $0x1;
	_ =	strace $0x80000046;
	[dreg:$0x1] =	wrdreg $0xFFFFFFFF  }
0xa7: {  	s28 =	simm.s32 $_size_execute0_lowered;
	s3 =	sadd.s32 s3, s5;
	[dreg:$0x0] =	wrdreg $0x0  }
0xa8: {  	s5 =	sshll.u32 s28, $0x1;
	[dreg:$0x2] =	wrdreg s3  }
0xa9: {  	[dreg:$0x3] =	wrdreg s5  }
0xaa: {  	[dreg:$0x4] =	wrdreg $0xC0  }
0xab: {  	_ =	task [dreg:s7], $0x5FFFF  }
0xac: {  	[dreg:$0x1] =	wrdreg $0xFFFFFFFF  }
0xad: {  	[dreg:$0x0] =	wrdreg $0x60  }
0xae: {  	[dreg:$0x2] =	wrdreg s2  }
0xaf: {  	[dreg:$0x3] =	wrdreg s24  }
0xb0: {  	[dreg:$0x4] =	wrdreg $0x9  }
0xb1: {  	_ =	task.clear_ibuf [dreg:s7], $0x5FFFF;
	_ =	strace $0x90000046  }
0xb2: {  	s29 =	simm.s32 $0x9;
	_ =	strace $0x80000048  }
0xb3: {  	_ =	swait.ge [sflag:s29], $0x1  }
0xb4: {  	[sflag:s29] =	ssyncadd.s32 $0xFFFFFFFF  }
0xb5: {  	_ =	strace $0x90000048  }
0xb6: {  	_ =	sfence  }
0xb7: {  	s30 =	sld [smem:$0x0];
	_ =	sdelay $0x2  }
0xb8: {  	s31 =	sshll.u32 s1, $0xD;
	s1 =	sshrl.u32 s1, $0x2  }
0xb9: {  	s3 =	sand.u32 $0x4000, s31;
	s1 =	sadd.s32 s1, s30  }
0xba: {  	s0 =	sor.u32 s3, s0;
	s1 =	sshll.u32 s1, $0x11  }
0xbb: {  	s0 =	sor.u32 s1, s0  }
0xbc: {  	s0 =	sadd.s32 $0x8F2B, s0  }
0xbd: {  	[sflag:s0] =	ssyncadd.remote.s32 $0x1  }
0xbe: {  	_ =	sfence.sel $0xFFFF  }
0xbf: {  	[dreg:$0x0] =	wrdreg $0xFFFFFFFF;
	(pc) =	sbr.abs _section_cstart, $3  }
0xc0: {  	[dreg:$0x1] =	wrdreg $0xFFFFFFFF  }
0xc1: {  	_ =	task.clear_ibuf [dreg:s7], $0x2FFFF;
	_ =	strace $0x9FFFFFFF  }
0xc2: {  	(tm) =	ssettm $0x7FFFFFFF  }
0xc3: {  	_ =	shalt  }
tec
execute0_lowered:
.L_overlay_start_1:
0x0: {  	(tag) =	ssettag $0x1  }
0x1: {  	s2 =	rddreg [dreg:$0x0]  }
0x2: {  	s4 =	rddreg [dreg:$0x1]  }
0x3: {  	s0 =	rddreg [dreg:$0x2];
	s5 =	srdreg.scid  }
0x4: {  	s1 =	stileid.u32;
	s3 =	simm.s32 $0x0;
	s13 =	simm.s32 $0x1  }
0x5: {  	s14 =	simm.s32 $0x2;
	s15 =	simm.s32 $0x0;
	s9 =	smul.u32 $0xC8000, s1  }
0x6: {  	s5 =	sand.u32 $0x1, s5;
	s6 =	sshll.u32 s1, $0x1;
	s12 =	smul.u32 $0x19000, s1  }
0x7: {  	[smem:$0x7FF] =	sst s3;
	s10 =	sadd.s32 $0x18C00, s4;
	s11 =	smul.u32 $0x64000, s5  }
0x8: {  	s6 =	sor.u32 s5, s6;
	_ =	strace $0x80000047;
	s28 =	smul.u32 $0xC800, s5  }
0x9: {  	s8 =	ssub.s32 $0x2, s5;
	s7 =	sshll.u32 s6, $0x9;
	s6 =	smul.u32 $0x64000, s6  }
0xa: {  	s26 =	sshrl.u32 s8, $0x1;
	s29 =	sadd.s32 s12, s10;
	s12 =	simm.s32 $0x5000  }
0xb: {  	s7 =	sadd.s32 s7, s4;
	s8 =	ssub.s32 s8, s26;
	s9 =	sadd.s32 s11, s9  }
0xc: {  	s31 =	sadd.s32 s28, s29;
	s11 =	simm.s32 $0x80;
	s6 =	sshrl.u32 s6, $0x3  }
0xd: {  	s4 =	sadd.s32 $0x10C00, s7;
	s30 =	sshrl.u32 s9, $0x3;
	s9 =	simm.s32 $0x3  }
0xe: {  	s6 =	sadd.s32 s10, s6;
	s7 =	sadd.s32 s30, s10;
	s10 =	simm.s32 $0x1000  }
0xf: {  	s5 =	sadd.s32 $0xC000, s6;
	s6 =	smax.u32 s8, $0x1;
	s8 =	sadd.s32 $0x800, s31  }
.LBB2_1:
0x10: {  	[tilespmem:s3], [sflag:$0x3] =	stream.linear.gather [hbm4b:s4+s3], $0xC80, $0x38;
	[tilespmem:$0x9000] =	vst v63  }
0x11: {  	_ =	swait.ge [sflag:s9], $0xC80  }
0x12: {  	[sflag:s9] =	ssyncset.done $0x0  }
0x13: {  	[sflag:s9] =	ssyncadd.s32 $0xFFFFF380  }
0x14: {  	[tilespmem:s10], [sflag:$0x1] =	stream.indirect.gather [hbm4b:s2+s11], $0x80, s3, s11, $0xb8;
	[tilespmem:$0x9000] =	vst v63  }
0x15: {  	_ = 	snop  }
0x16: {  	[tilespmem:s12], [sflag:$0x2] =	stream.indirect.gather [hbm4b:s2+s11], $0x80, s11, s11, $0xb8;
	[tilespmem:$0x9000] =	vst v63  }
0x17: {  	_ =	swait.ge [sflag:s13], $0x4000  }
0x18: {  	[sflag:s13] =	ssyncset.done $0x0  }
0x19: {  	s16 =	sadd.s32 $0x0, s7;
	[sflag:s13] =	ssyncadd.s32 $0xFFFFC000  }
0x1a: {  	[hbm4b:s16+s3] =	stream.linear.scatter [tilespmem:s10], [sflag:$0x3], $0x4000, $0x38;
	[tilespmem:$0x9000] =	vst v63  }
0x1b: {  	_ =	swait.ge [sflag:s9], $0x4000  }
0x1c: {  	[sflag:s9] =	ssyncset.done $0x0  }
0x1d: {  	s30 =	simm.s32 $0x100;
	[sflag:s9] =	ssyncadd.s32 $0xFFFFC000  }
0x1e: {  	[tilespmem:s10], [sflag:$0x1] =	stream.indirect.gather [hbm4b:s2+s11], $0x80, s30, s11, $0xb8;
	[tilespmem:$0x9000] =	vst v63  }
0x1f: {  	_ =	swait.ge [sflag:s14], $0x4000  }
0x20: {  	[sflag:s14] =	ssyncset.done $0x0  }
0x21: {  	s31 =	sadd.s32 $0x0, s8;
	[sflag:s14] =	ssyncadd.s32 $0xFFFFC000  }
0x22: {  	[hbm4b:s31+s3] =	stream.linear.scatter [tilespmem:s12], [sflag:$0x3], $0x4000, $0x38;
	[tilespmem:$0x9000] =	vst v63  }
0x23: {  	_ =	swait.ge [sflag:s9], $0x4000  }
0x24: {  	s17 =	simm.s32 $0x80;
	s16 =	simm.s32 $0x1000;
	[sflag:s9] =	ssyncset.done $0x0  }
.LBB2_2:
0x25: {  	p0 =	sne.s32 s16, $0xB000;
	[sflag:s9] =	ssyncadd.s32 $0xFFFFC000;
	s17 =	sadd.s32 $0x100, s17  }
0x26: {  	[tilespmem:s12], [sflag:$0x2] =	stream.indirect.gather [hbm4b:s2+s11], $0x80, s17, s11, $0xb8;
	[tilespmem:$0x9000] =	vst v63  }
0x27: {  	s18 =	smov.u32 s16;
	s16 =	sadd.s32 $0x1000, s16;
	_ =	swait.ge [sflag:s13], $0x4000  }
0x28: {  	[sflag:s13] =	ssyncset.done $0x0  }
0x29: {  	s19 =	sadd.s32 s18, s7;
	[sflag:s13] =	ssyncadd.s32 $0xFFFFC000  }
0x2a: {  	[hbm4b:s19+s3] =	stream.linear.scatter [tilespmem:s10], [sflag:$0x3], $0x4000, $0x38;
	[tilespmem:$0x9000] =	vst v63  }
0x2b: {  	_ =	swait.ge [sflag:s9], $0x4000  }
0x2c: {  	[sflag:s9] =	ssyncset.done $0x0  }
0x2d: {  	s19 =	sadd.s32 $0x80, s17;
	[sflag:s9] =	ssyncadd.s32 $0xFFFFC000  }
0x2e: {  	[tilespmem:s10], [sflag:$0x1] =	stream.indirect.gather [hbm4b:s2+s11], $0x80, s19, s11, $0xb8;
	[tilespmem:$0x9000] =	vst v63  }
0x2f: {  	_ =	swait.ge [sflag:s14], $0x4000  }
.Ltmp0:
0x30: {  	[sflag:s14] =	ssyncset.done $0x0;
	(pc) =	sbr.rel @p0 .LBB2_2-.Ltmp0, $4  }
0x31: {  	s18 =	sadd.s32 s18, s8;
	[sflag:s14] =	ssyncadd.s32 $0xFFFFC000  }
0x32: {  	[hbm4b:s18+s3] =	stream.linear.scatter [tilespmem:s12], [sflag:$0x3], $0x4000, $0x38;
	[tilespmem:$0x9000] =	vst v63  }
0x33: {  	_ =	swait.ge [sflag:s9], $0x4000  }
0x34: {  	[sflag:s9] =	ssyncset.done $0x0  }
0x35: {  	[sflag:s9] =	ssyncadd.s32 $0xFFFFC000  }
0x36: {  	s15 =	sadd.s32 $0x1, s15;
	_ =	swait.ge [sflag:s13], $0x4000  }
0x37: {  	p0 =	sne.s32 s15, s6;
	[sflag:s13] =	ssyncset.done $0x0  }
.Ltmp1:
0x38: {  	[sflag:s13] =	ssyncadd.s32 $0xFFFFC000;
	(pc) =	sbr.rel @p0 .LBB2_1-.Ltmp1, $4  }
0x39: {  	[hbm4b:s5+s3] =	stream.linear.scatter [tilespmem:s10], [sflag:$0x3], $0x4000, $0x38;
	[tilespmem:$0x9000] =	vst v63  }
0x3a: {  	_ =	swait.ge [sflag:s9], $0x4000  }
0x3b: {  	[sflag:s9] =	ssyncset.done $0x0  }
0x3c: {  	[sflag:s9] =	ssyncadd.s32 $0xFFFFC000  }
0x3d: {  	_ =	sfence.sel $0x180000  }
0x3e: {  	[bflag:$0x0] =	sbarrier.arrive $0xFFFF  }
0x3f: {  	p0 =	sne.s32 s1, $0x0;
	_ =	strace $0x90000047  }
0x40: {  	s0 =	sadd.s32 @!p0 $0x100000, s0;
	[bflag:$0x2] =	sbarrier.arrive $0xFFFF  }
0x41: {  	[sflag:s0] =	ssyncadd.tile.s32 @!p0 $0x1;
	_ =	shalt  }
.Lfunc_end2:
_tile_overlayer_lowered:
.L_overlay_start_2:
0x42: {  	(tag) =	ssettag $0x2  }
0x43: {  	s0 =	rddreg [dreg:$0x0];
	s2 =	stileid.u32  }
0x44: {  	s1 =	rddreg [dreg:$0x1];
	p0 =	sne.s32 s2, $0x0  }
0x45: {  	s3 =	rddreg [dreg:$0x2];
	[bflag:$0x3] =	sbarrier.arrive $0xFFFF;
	s2 =	simm.s32 @!p0 $0x1C03  }
0x46: {  	[timem:s3], [sflag:s2] =	dma.local @!p0 [hbm:s0], s1  }
0x47: {  	s0 =	simm.s32 @!p0 $0x3  }
0x48: {  	_ =	swait.ge @!p0 [sflag:s0], s1  }
0x49: {  	s1 =	ssub.s32 @!p0 $0x0, s1;
	[sflag:s0] =	ssyncset.done @!p0 $0x0  }
0x4a: {  	[sflag:s0] =	ssyncadd.s32 @!p0 s1  }
0x4b: {  	[bflag:$0x3] =	sbarrier.arrive $0xFFFF  }
0x4c: {  	_ =	shalt  }

// kernel: kernel.9.cloned.1.call-start
scs
__scs_entry_jumppad:
0x0: {  	(pc) =	sbr.rel $0x88, $3  }
0x1: {  	(tag) =	ssettag $0x0;
	lr =	simm.s32 $0x1  }
0x2: {  	[smem:$0x3F9E] =	sst lr;
	_ =	strace $0xD0000000  }
0x3: {  	_ = 	snop  }
0x4: {  	_ = 	snop  }
0x5: {  	_ = 	snop  }
0x6: {  	_ = 	snop  }
0x7: {  	_ = 	snop  }
__scs_overlays_trampoline_lowered:
0x8: {  	[smem:$0x3FAD] =	sst s0  }
0x9: {  	[smem:$0x3FAE] =	sst s1  }
0xa: {  	[smem:$0x3FAF] =	sst s2  }
0xb: {  	[smem:$0x3FB0] =	sst s3  }
0xc: {  	[smem:$0x3FB1] =	sst s4  }
0xd: {  	[smem:$0x3FB2] =	sst s5  }
0xe: {  	[smem:$0x3FB3] =	sst s6  }
0xf: {  	[smem:$0x3FB4] =	sst s7  }
0x10: {  	[smem:$0x3FB5] =	sst s8  }
0x11: {  	[smem:$0x3FB6] =	sst s9;
	s0 =	simm.s32 @!p0 $0x0  }
0x12: {  	s1 =	sld [smem:$0x3F9C];
	s0 =	simm.s32 @p0 $0x1  }
0x13: {  	[smem:$0x3FB7] =	sst s0;
	s0 =	simm.s32 @!p1 $0x0  }
0x14: {  	s2 =	sld [smem:$0x3F9B];
	s0 =	simm.s32 @p1 $0x1  }
0x15: {  	[smem:$0x3FB8] =	sst s0;
	s0 =	simm.s32 @!p2 $0x0  }
0x16: {  	s3 =	sld [smem:$0x3FDB];
	s0 =	simm.s32 @p2 $0x1  }
0x17: {  	s4 =	simm.s32 $0x1BF5;
	[smem:$0x3FBA] =	sst s0  }
0x18: {  	s0 =	sld [smem:$0x3F9D];
	_ =	swait.ge [sflag:s4], $0x0  }
0x19: {  	s7 =	sld [smem:$0x3F9E]  }
0x1a: {  	s8 =	sadd.s32 $0xFFFFE003, lr  }
0x1b: {  	s9 =	sadd.s32 $0xFFFFFEF7, lr;
	s5 =	simm.s32 $0xFFFFFFFF;
	p2 =	slt.u32 s8, $0xFFFFF086  }
0x1c: {  	p1 =	slt.u32 s9, $0xF7A;
	s5 =	simm.s32 @!p2 $0x0  }
0x1d: {  	s5 =	simm.s32 @p1 $0x1;
	p0 =	seq.s32 s7, s2  }
0x1e: {  	s7 =	smul.u32 @!p0 $0xF7A, s2;
	p2 =	seq.s32 @!p0 s5, $0x0  }
0x1f: {  	s9 =	smul.u32 $0xF7A, s1;
	s8 =	simm.s32 @!p0 $0x1BF5;
	p2 =	por !p2, p0  }
0x20: {  	[sflag:s8] =	ssyncset.s32 @!p0 $0xFFFFF086;
	s6 =	sadd.s32 @!p0 s3, s7;
	s7 =	simm.s32 @!p0 $0x108  }
0x21: {  	s3 =	sadd.s32 s3, s9;
	s6 =	sadd.s32 @!p0 $0x88, s6;
	s7 =	simm.s32 @p2 $0x1082  }
0x22: {  	[simem:s7], [sflag:s8] =	dma.local @!p0 [hbm:s6], $0xF7A  }
0x23: {  	s9 =	sor.u32 $0xD0000000, s2;
	s6 =	simm.s32 $0x108;
	_ =	swait.ge @!p0 [sflag:s8], $0x0  }
0x24: {  	s3 =	sadd.s32 $0x88, s3;
	s6 =	simm.s32 @!p1 $0x1082;
	[sflag:s4] =	ssyncset.s32 $0xFFFFF086  }
0x25: {  	[simem:s6], [sflag:s4] =	dma.local [hbm:s3], $0xF7A  }
0x26: {  	[smem:$0x3F9E] =	sst s1;
	(tag) =	ssettag s2;
	_ =	strace s9  }
0x27: {  	s1 =	sld [smem:$0x3FAE]  }
0x28: {  	s2 =	sld [smem:$0x3FAF]  }
0x29: {  	s4 =	sld [smem:$0x3FB1]  }
0x2a: {  	p0 =	seq.s32 s5, $0x0;
	s5 =	sld [smem:$0x3FB2]  }
0x2b: {  	s6 =	sld [smem:$0x3FB3]  }
0x2c: {  	s7 =	sld [smem:$0x3FB4]  }
0x2d: {  	s3 =	simm.s32 $0x108;
	s8 =	sld [smem:$0x3FB5]  }
0x2e: {  	s3 =	simm.s32 @!p0 $0x1082;
	s9 =	sld [smem:$0x3FB6]  }
0x2f: {  	lr =	sadd.s32 s0, s3;
	s0 =	sld [smem:$0x3FAD]  }
0x30: {  	s3 =	sld [smem:$0x3FB0]  }
0x31: {  	[smem:$0x3FB9] =	sst s10  }
0x32: {  	s10 =	sld [smem:$0x3FB7];
	_ =	sdelay $0x3  }
0x33: {  	p0 =	seq.s32 s10, $0x1;
	s10 =	sld [smem:$0x3FB9];
	_ =	sdelay $0x3  }
0x34: {  	[smem:$0x3FB9] =	sst s10  }
0x35: {  	s10 =	sld [smem:$0x3FB8];
	_ =	sdelay $0x3  }
0x36: {  	p1 =	seq.s32 s10, $0x1;
	s10 =	sld [smem:$0x3FB9];
	_ =	sdelay $0x3  }
0x37: {  	[smem:$0x3FB9] =	sst s10  }
0x38: {  	s10 =	sld [smem:$0x3FBA]  }
0x39: {  	_ = 	snop;
	(pc) =	sbr.ind lr, $3  }
0x3a: {  	_ = 	snop  }
0x3b: {  	_ = 	snop  }
0x3c: {  	p2 =	seq.s32 s10, $0x1;
	s10 =	sld [smem:$0x3FB9]  }
0x3d: {  	_ =	shalt  }
0x3e: {  	_ =	shalt  }
0x3f: {  	_ =	shalt  }
0x40: {  	_ =	shalt  }
0x41: {  	_ =	shalt  }
0x42: {  	_ =	shalt  }
0x43: {  	_ =	shalt  }
0x44: {  	_ =	shalt  }
0x45: {  	_ =	shalt  }
0x46: {  	_ =	shalt  }
0x47: {  	_ =	shalt  }
0x48: {  	_ =	shalt  }
0x49: {  	_ =	shalt  }
0x4a: {  	_ =	shalt  }
0x4b: {  	_ =	shalt  }
0x4c: {  	_ =	shalt  }
0x4d: {  	_ =	shalt  }
0x4e: {  	_ =	shalt  }
0x4f: {  	_ =	shalt  }
0x50: {  	_ =	shalt  }
0x51: {  	_ =	shalt  }
0x52: {  	_ =	shalt  }
0x53: {  	_ =	shalt  }
0x54: {  	_ =	shalt  }
0x55: {  	_ =	shalt  }
0x56: {  	_ =	shalt  }
0x57: {  	_ =	shalt  }
0x58: {  	_ =	shalt  }
0x59: {  	_ =	shalt  }
0x5a: {  	_ =	shalt  }
0x5b: {  	_ =	shalt  }
0x5c: {  	_ =	shalt  }
0x5d: {  	_ =	shalt  }
0x5e: {  	_ =	shalt  }
0x5f: {  	_ =	shalt  }
0x60: {  	_ =	shalt  }
0x61: {  	_ =	shalt  }
0x62: {  	_ =	shalt  }
0x63: {  	_ =	shalt  }
0x64: {  	_ =	shalt  }
0x65: {  	_ =	shalt  }
0x66: {  	_ =	shalt  }
0x67: {  	_ =	shalt  }
0x68: {  	_ =	shalt  }
0x69: {  	_ =	shalt  }
0x6a: {  	_ =	shalt  }
0x6b: {  	_ =	shalt  }
0x6c: {  	_ =	shalt  }
0x6d: {  	_ =	shalt  }
0x6e: {  	_ =	shalt  }
0x6f: {  	_ =	shalt  }
0x70: {  	_ =	shalt  }
0x71: {  	_ =	shalt  }
0x72: {  	_ =	shalt  }
0x73: {  	_ =	shalt  }
0x74: {  	_ =	shalt  }
0x75: {  	_ =	shalt  }
0x76: {  	_ =	shalt  }
0x77: {  	_ =	shalt  }
0x78: {  	_ =	shalt  }
0x79: {  	_ =	shalt  }
0x7a: {  	_ =	shalt  }
0x7b: {  	_ =	shalt  }
0x7c: {  	_ =	shalt  }
0x7d: {  	_ =	shalt  }
0x7e: {  	_ =	shalt  }
0x7f: {  	_ =	shalt  }
0x80: {  	_ =	shalt  }
0x81: {  	_ =	shalt  }
0x82: {  	_ =	shalt  }
0x83: {  	_ =	shalt  }
0x84: {  	_ =	shalt  }
0x85: {  	_ =	shalt  }
0x86: {  	_ =	shalt  }
0x87: {  	_ =	shalt  }
.Lfunc_end0:
.L_simem_size_0:
called_computation.1_lowered:
.L_overlay_start_0:
0x88: {  	s2 =	sld [smem:$0x3FD9]  }
0x89: {  	s3 =	sld [smem:$0x3FFE];
	_ =	sdelay $0x1  }
0x8a: {  	s1 =	srdreg.scid  }
0x8b: {  	s0 =	sand.u32 $0x1, s1  }
0x8c: {  	s17 =	sshll.u32 s0, $0xA;
	s2 =	sadd.s32 s3, s2  }
0x8d: {  	s2 =	sadd.s32 s2, s17  }
0x8e: {  	[smem:$0x3FC5] =	sst s2  }
0x8f: {  	_ = 	snop  }
0x90: {  	s18 =	sld [smem:$0x3FC7];
	(tm) =	ssettm $0x1  }
0x91: {  	s19 =	sld [smem:$0x3FFB];
	_ =	sdelay $0x3  }
0x92: {  	_ =	strace s19  }
0x93: {  	s2 =	sld [smem:$0x3FFC];
	_ =	sdelay $0x3  }
0x94: {  	_ =	strace s2  }
0x95: {  	s2 =	sld [smem:$0x3FFD];
	_ =	sdelay $0x3  }
0x96: {  	_ =	strace s2  }
0x97: {  	_ =	strace $0x8FFFFFFF  }
0x98: {  	s20 =	sld [smem:$0x3FDB];
	_ =	sdelay $0x1  }
0x99: {  	s4 =	simm.s32 $_scs_section_size  }
0x9a: {  	s5 =	simm.s32 $_size__tile_overlayer_lowered;
	s6 =	simm.s32 $_tile_overlayer_lowered  }
0x9b: {  	s7 =	simm.s32 $0x1BFF;
	s21 =	sshll.u32 s6, $0x1;
	s4 =	sadd.s32 s4, s20  }
0x9c: {  	s22 =	simm.s32 $0x0;
	s5 =	sshll.u32 s5, $0x1;
	s6 =	sadd.s32 s21, s4  }
0x9d: {  	[timem:s22], [sflag:s7] =	dma.local [hbm:s6], s5  }
0x9e: {  	_ =	swait.ge [sflag:s7], s5  }
0x9f: {  	s5 =	ssub.s32 $0x0, s5;
	[sflag:s7] =	ssyncset.done $0x0  }
0xa0: {  	[sflag:s7] =	ssyncadd.s32 s5;
	_ =	sdelay $0x1  }
0xa1: {  	s23 =	simm.s32 $0x1B8B  }
0xa2: {  	_ =	swait.ge [sflag:s23], $0x1  }
0xa3: {  	[sflag:s23] =	ssyncset.done $0x0  }
0xa4: {  	[sflag:s23] =	ssyncadd.s32 $0xFFFFFFFF  }
0xa5: {  	s5 =	sld [smem:$0x0]  }
0xa6: {  	s6 =	sand.u32 $0xFFFFFFFE, s1  }
0xa7: {  	p0 =	sne.s32 s1, s6  }
0xa8: {  	s6 =	sshll.u32 @p0 s6, $0xE  }
0xa9: {  	s6 =	sadd.s32 @p0 $0x11B8D, s6;
	s7 =	sshll.u32 @p0 s5, $0x11  }
0xaa: {  	s6 =	sor.u32 @p0 s7, s6  }
0xab: {  	[sflag:s6] =	ssyncadd.remote.s32 @p0 $0x1;
	_ =	sdelay $0x1  }
0xac: {  	s6 =	simm.s32 @p0 $0x1B8D  }
0xad: {  	_ =	swait.eq @p0 [sflag:s6], $0x1  }
0xae: {  	[sflag:s6] =	ssyncadd.s32 @p0 $0xFFFFFFFF  }
0xaf: {  	s7 =	sshll.u32 @!p0 s1, $0xE  }
0xb0: {  	s7 =	sor.u32 @!p0 $0x4000, s7;
	s6 =	simm.s32 @!p0 $0x1B8D  }
0xb1: {  	s5 =	sshll.u32 @!p0 s5, $0x11;
	s7 =	sadd.s32 @!p0 $0x11B8D, s7;
	_ =	swait.eq @!p0 [sflag:s6], $0x1  }
0xb2: {  	s5 =	sor.u32 @!p0 s5, s7;
	[sflag:s6] =	ssyncadd.s32 @!p0 $0xFFFFFFFF  }
0xb3: {  	s25 =	simm.s32 $0x1B8E;
	s24 =	sld [smem:$0x3FFE];
	[sflag:s5] =	ssyncadd.remote.s32 @!p0 $0x1  }
0xb4: {  	s26 =	simm.s32 $execute0_lowered;
	[smem:$0x3FD2] =	sst s25  }
0xb5: {  	s6 =	sshll.u32 s26, $0x1;
	_ =	strace $0x80000049;
	[dreg:$0x1] =	wrdreg $0xFFFFFFFF  }
0xb6: {  	s28 =	simm.s32 $_size_execute0_lowered;
	s4 =	sadd.s32 s4, s6;
	[dreg:$0x0] =	wrdreg $0x0  }
0xb7: {  	s6 =	sshll.u32 s28, $0x1;
	[dreg:$0x2] =	wrdreg s4  }
0xb8: {  	[dreg:$0x3] =	wrdreg s6  }
0xb9: {  	[dreg:$0x4] =	wrdreg $0xC0  }
0xba: {  	_ =	task [dreg:s22], $0x5FFFF  }
0xbb: {  	[dreg:$0x1] =	wrdreg $0xFFFFFFFF  }
0xbc: {  	[dreg:$0x0] =	wrdreg $0x60  }
0xbd: {  	[dreg:$0x2] =	wrdreg s18  }
0xbe: {  	[dreg:$0x3] =	wrdreg s24  }
0xbf: {  	[dreg:$0x4] =	wrdreg $0xA  }
0xc0: {  	_ =	task.clear_ibuf [dreg:s22], $0x5FFFF;
	_ =	strace $0x90000049  }
0xc1: {  	s29 =	simm.s32 $0xA;
	_ =	strace $0x8000004B  }
0xc2: {  	_ =	swait.ge [sflag:s29], $0x1  }
0xc3: {  	[sflag:s29] =	ssyncadd.s32 $0xFFFFFFFF  }
0xc4: {  	_ =	strace $0x9000004B  }
0xc5: {  	_ =	sfence  }
0xc6: {  	s30 =	sld [smem:$0x0];
	_ =	sdelay $0x2  }
0xc7: {  	s31 =	sshll.u32 s1, $0xD;
	s1 =	sshrl.u32 s1, $0x2  }
0xc8: {  	s4 =	sand.u32 $0x4000, s31;
	s1 =	sadd.s32 s1, s30  }
0xc9: {  	s0 =	sor.u32 s4, s0;
	s1 =	sshll.u32 s1, $0x11  }
0xca: {  	s0 =	sor.u32 s1, s0  }
0xcb: {  	s0 =	sadd.s32 $0x8F2B, s0  }
0xcc: {  	[sflag:s0] =	ssyncadd.remote.s32 $0x1  }
0xcd: {  	_ =	sfence.sel $0xFFFF  }
0xce: {  	[dreg:$0x0] =	wrdreg $0xFFFFFFFF;
	(pc) =	sbr.abs _section_cstart, $3  }
0xcf: {  	[dreg:$0x1] =	wrdreg $0xFFFFFFFF  }
0xd0: {  	_ =	task.clear_ibuf [dreg:s22], $0x2FFFF;
	_ =	strace $0x9FFFFFFF  }
0xd1: {  	(tm) =	ssettm $0x7FFFFFFF  }
tec
execute0_lowered:
.L_overlay_start_1:
0x0: {  	(tag) =	ssettag $0x1  }
0x1: {  	s2 =	rddreg [dreg:$0x0]  }
0x2: {  	s4 =	rddreg [dreg:$0x1]  }
0x3: {  	s0 =	rddreg [dreg:$0x2];
	s5 =	srdreg.scid  }
0x4: {  	s1 =	stileid.u32;
	s3 =	simm.s32 $0x0;
	s13 =	simm.s32 $0x1  }
0x5: {  	s14 =	simm.s32 $0x2;
	s15 =	simm.s32 $0x0;
	s9 =	smul.u32 $0xC8000, s1  }
0x6: {  	s5 =	sand.u32 $0x1, s5;
	s6 =	sshll.u32 s1, $0x1;
	s12 =	smul.u32 $0x19000, s1  }
0x7: {  	[smem:$0x7FF] =	sst s3;
	s10 =	sadd.s32 $0x1A8C00, s4;
	s11 =	smul.u32 $0x64000, s5  }
0x8: {  	s6 =	sor.u32 s5, s6;
	_ =	strace $0x8000004A;
	s28 =	smul.u32 $0xC800, s5  }
0x9: {  	s8 =	ssub.s32 $0x2, s5;
	s7 =	sshll.u32 s6, $0x9;
	s6 =	smul.u32 $0x64000, s6  }
0xa: {  	s26 =	sshrl.u32 s8, $0x1;
	s29 =	sadd.s32 s12, s10;
	s12 =	simm.s32 $0x5000  }
0xb: {  	s7 =	sadd.s32 s7, s4;
	s8 =	ssub.s32 s8, s26;
	s9 =	sadd.s32 s11, s9  }
0xc: {  	s31 =	sadd.s32 s28, s29;
	s11 =	simm.s32 $0x80;
	s6 =	sshrl.u32 s6, $0x3  }
0xd: {  	s4 =	sadd.s32 $0x14C00, s7;
	s30 =	sshrl.u32 s9, $0x3;
	s9 =	simm.s32 $0x3  }
0xe: {  	s6 =	sadd.s32 s10, s6;
	s7 =	sadd.s32 s30, s10;
	s10 =	simm.s32 $0x1000  }
0xf: {  	s5 =	sadd.s32 $0xC000, s6;
	s6 =	smax.u32 s8, $0x1;
	s8 =	sadd.s32 $0x800, s31  }
.LBB2_1:
0x10: {  	[tilespmem:s3], [sflag:$0x3] =	stream.linear.gather [hbm4b:s4+s3], $0xC80, $0x38;
	[tilespmem:$0x9000] =	vst v63  }
0x11: {  	_ =	swait.ge [sflag:s9], $0xC80  }
0x12: {  	[sflag:s9] =	ssyncset.done $0x0  }
0x13: {  	[sflag:s9] =	ssyncadd.s32 $0xFFFFF380  }
0x14: {  	[tilespmem:s10], [sflag:$0x1] =	stream.indirect.gather [hbm4b:s2+s11], $0x80, s3, s11, $0xb8;
	[tilespmem:$0x9000] =	vst v63  }
0x15: {  	_ = 	snop  }
0x16: {  	[tilespmem:s12], [sflag:$0x2] =	stream.indirect.gather [hbm4b:s2+s11], $0x80, s11, s11, $0xb8;
	[tilespmem:$0x9000] =	vst v63  }
0x17: {  	_ =	swait.ge [sflag:s13], $0x4000  }
0x18: {  	[sflag:s13] =	ssyncset.done $0x0  }
0x19: {  	s16 =	sadd.s32 $0x0, s7;
	[sflag:s13] =	ssyncadd.s32 $0xFFFFC000  }
0x1a: {  	[hbm4b:s16+s3] =	stream.linear.scatter [tilespmem:s10], [sflag:$0x3], $0x4000, $0x38;
	[tilespmem:$0x9000] =	vst v63  }
0x1b: {  	_ =	swait.ge [sflag:s9], $0x4000  }
0x1c: {  	[sflag:s9] =	ssyncset.done $0x0  }
0x1d: {  	s30 =	simm.s32 $0x100;
	[sflag:s9] =	ssyncadd.s32 $0xFFFFC000  }
0x1e: {  	[tilespmem:s10], [sflag:$0x1] =	stream.indirect.gather [hbm4b:s2+s11], $0x80, s30, s11, $0xb8;
	[tilespmem:$0x9000] =	vst v63  }
0x1f: {  	_ =	swait.ge [sflag:s14], $0x4000  }
0x20: {  	[sflag:s14] =	ssyncset.done $0x0  }
0x21: {  	s31 =	sadd.s32 $0x0, s8;
	[sflag:s14] =	ssyncadd.s32 $0xFFFFC000  }
0x22: {  	[hbm4b:s31+s3] =	stream.linear.scatter [tilespmem:s12], [sflag:$0x3], $0x4000, $0x38;
	[tilespmem:$0x9000] =	vst v63  }
0x23: {  	_ =	swait.ge [sflag:s9], $0x4000  }
0x24: {  	s17 =	simm.s32 $0x80;
	s16 =	simm.s32 $0x1000;
	[sflag:s9] =	ssyncset.done $0x0  }
.LBB2_2:
0x25: {  	p0 =	sne.s32 s16, $0xB000;
	[sflag:s9] =	ssyncadd.s32 $0xFFFFC000;
	s17 =	sadd.s32 $0x100, s17  }
0x26: {  	[tilespmem:s12], [sflag:$0x2] =	stream.indirect.gather [hbm4b:s2+s11], $0x80, s17, s11, $0xb8;
	[tilespmem:$0x9000] =	vst v63  }
0x27: {  	s18 =	smov.u32 s16;
	s16 =	sadd.s32 $0x1000, s16;
	_ =	swait.ge [sflag:s13], $0x4000  }
0x28: {  	[sflag:s13] =	ssyncset.done $0x0  }
0x29: {  	s19 =	sadd.s32 s18, s7;
	[sflag:s13] =	ssyncadd.s32 $0xFFFFC000  }
0x2a: {  	[hbm4b:s19+s3] =	stream.linear.scatter [tilespmem:s10], [sflag:$0x3], $0x4000, $0x38;
	[tilespmem:$0x9000] =	vst v63  }
0x2b: {  	_ =	swait.ge [sflag:s9], $0x4000  }
0x2c: {  	[sflag:s9] =	ssyncset.done $0x0  }
0x2d: {  	s19 =	sadd.s32 $0x80, s17;
	[sflag:s9] =	ssyncadd.s32 $0xFFFFC000  }
0x2e: {  	[tilespmem:s10], [sflag:$0x1] =	stream.indirect.gather [hbm4b:s2+s11], $0x80, s19, s11, $0xb8;
	[tilespmem:$0x9000] =	vst v63  }
0x2f: {  	_ =	swait.ge [sflag:s14], $0x4000  }
.Ltmp0:
0x30: {  	[sflag:s14] =	ssyncset.done $0x0;
	(pc) =	sbr.rel @p0 .LBB2_2-.Ltmp0, $4  }
0x31: {  	s18 =	sadd.s32 s18, s8;
	[sflag:s14] =	ssyncadd.s32 $0xFFFFC000  }
0x32: {  	[hbm4b:s18+s3] =	stream.linear.scatter [tilespmem:s12], [sflag:$0x3], $0x4000, $0x38;
	[tilespmem:$0x9000] =	vst v63  }
0x33: {  	_ =	swait.ge [sflag:s9], $0x4000  }
0x34: {  	[sflag:s9] =	ssyncset.done $0x0  }
0x35: {  	[sflag:s9] =	ssyncadd.s32 $0xFFFFC000  }
0x36: {  	s15 =	sadd.s32 $0x1, s15;
	_ =	swait.ge [sflag:s13], $0x4000  }
0x37: {  	p0 =	sne.s32 s15, s6;
	[sflag:s13] =	ssyncset.done $0x0  }
.Ltmp1:
0x38: {  	[sflag:s13] =	ssyncadd.s32 $0xFFFFC000;
	(pc) =	sbr.rel @p0 .LBB2_1-.Ltmp1, $4  }
0x39: {  	[hbm4b:s5+s3] =	stream.linear.scatter [tilespmem:s10], [sflag:$0x3], $0x4000, $0x38;
	[tilespmem:$0x9000] =	vst v63  }
0x3a: {  	_ =	swait.ge [sflag:s9], $0x4000  }
0x3b: {  	[sflag:s9] =	ssyncset.done $0x0  }
0x3c: {  	[sflag:s9] =	ssyncadd.s32 $0xFFFFC000  }
0x3d: {  	_ =	sfence.sel $0x180000  }
0x3e: {  	[bflag:$0x0] =	sbarrier.arrive $0xFFFF  }
0x3f: {  	p0 =	sne.s32 s1, $0x0;
	_ =	strace $0x9000004A  }
0x40: {  	s0 =	sadd.s32 @!p0 $0x100000, s0;
	[bflag:$0x2] =	sbarrier.arrive $0xFFFF  }
0x41: {  	[sflag:s0] =	ssyncadd.tile.s32 @!p0 $0x1;
	_ =	shalt  }
.Lfunc_end2:
_tile_overlayer_lowered:
.L_overlay_start_2:
0x42: {  	(tag) =	ssettag $0x2  }
0x43: {  	s0 =	rddreg [dreg:$0x0];
	s2 =	stileid.u32  }
0x44: {  	s1 =	rddreg [dreg:$0x1];
	p0 =	sne.s32 s2, $0x0  }
0x45: {  	s3 =	rddreg [dreg:$0x2];
	[bflag:$0x3] =	sbarrier.arrive $0xFFFF;
	s2 =	simm.s32 @!p0 $0x1C03  }
0x46: {  	[timem:s3], [sflag:s2] =	dma.local @!p0 [hbm:s0], s1  }
0x47: {  	s0 =	simm.s32 @!p0 $0x3  }
0x48: {  	_ =	swait.ge @!p0 [sflag:s0], s1  }
0x49: {  	s1 =	ssub.s32 @!p0 $0x0, s1;
	[sflag:s0] =	ssyncset.done @!p0 $0x0  }
0x4a: {  	[sflag:s0] =	ssyncadd.s32 @!p0 s1  }
0x4b: {  	[bflag:$0x3] =	sbarrier.arrive $0xFFFF  }
0x4c: {  	_ =	shalt  }

</sc_bundles>
